<compile_context>
chip_gen: v7x
topology: tpu7x:2x2x1
jax: 0.10.2.dev20260603
libtpu: 0.0.44.dev20260713+nightly
codegen_flags: <defaults>
</compile_context>

<pallas_src>
import functools
import jax
import jax.numpy as jnp
from jax import lax
from jax.experimental import pallas as pl
from jax.experimental.pallas import tpu as pltpu
from jax.experimental.pallas import tpu_sc as plsc

_BB = 64

_SC_CORES = 2
_SC_SUBCORES = 16
_SC_WORKERS = _SC_CORES * _SC_SUBCORES


def _sc_gather(table, sids):
    B = sids.shape[0]
    N, E = table.shape
    b_per_w = B // _SC_WORKERS
    mesh = plsc.VectorSubcoreMesh(core_axis_name="c", subcore_axis_name="s")

    @functools.partial(
        pl.kernel,
        mesh=mesh,
        out_type=jax.ShapeDtypeStruct((B, E), jnp.float32),
        scratch_types=[
            pltpu.VMEM((b_per_w,), jnp.int32),
            pltpu.VMEM((b_per_w, E), jnp.float32),
            pltpu.SemaphoreType.DMA,
        ],
    )
    def gather_k(table_hbm, idx_hbm, out_hbm, idx_v, rows_v, sem):
        wid = lax.axis_index("s") * _SC_CORES + lax.axis_index("c")
        base = wid * b_per_w
        pltpu.sync_copy(idx_hbm.at[pl.ds(base, b_per_w)], idx_v)
        pltpu.async_copy(table_hbm.at[idx_v], rows_v, sem).wait()
        pltpu.sync_copy(rows_v, out_hbm.at[pl.ds(base, b_per_w)])

    return gather_k(table, sids)


def _concat_body(emg_ref, emb_ref, out_ref, *, T, F, E):
    W = F + E
    emb = emb_ref[:, :E]
    for t in range(T):
        out_ref[:, t * W : t * W + F] = emg_ref[:, t * F : (t + 1) * F]
        out_ref[:, t * W + F : (t + 1) * W] = emb


def _tc_concat(emg_features, embed, E):
    B, T, F = emg_features.shape
    emg2d = jnp.reshape(emg_features, (B, T * F))
    out2d = pl.pallas_call(
        functools.partial(_concat_body, T=T, F=F, E=E),
        grid=(B // _BB,),
        in_specs=[
            pl.BlockSpec((_BB, T * F), lambda i: (i, 0)),
            pl.BlockSpec((_BB, embed.shape[-1]), lambda i: (i, 0)),
        ],
        out_specs=pl.BlockSpec((_BB, T * (F + E)), lambda i: (i, 0)),
        out_shape=jax.ShapeDtypeStruct((B, T * (F + E)), jnp.float32),
    )(emg2d, embed)
    return jnp.reshape(out2d, (B, T, F + E))


def kernel(emg_features, session_ids, table):
    sids = session_ids.astype(jnp.int32)
    table_p = jnp.pad(table, ((0, 0), (0, 128 - table.shape[1])))
    embed = _sc_gather(table_p, sids)
    return _tc_concat(emg_features, embed, table.shape[1])

# --- scband reference (transcript-rebuilt; emitter-appended) ---
"""Pipeline reference for scband-session-embedding-22608707846875 (READ-ONLY COPY).

The authoritative reference and input builder live on the scoring server;
editing this copy changes nothing except your own understanding.
"""

import jax, jax.numpy as jnp
import numpy as np

N_SESSIONS = 1000
EMBED_DIM = 32
B = 1024
T = 200
FEAT = 112

def setup_inputs(seed: int = 0) -> dict:
    key = jax.random.key(seed)
    k1, k2, k3 = jax.random.split(key, 3)
    emg_features = jax.random.normal(k1, (B, T, FEAT), dtype=jnp.float32)
    session_ids = jax.random.randint(k2, (B,), 0, N_SESSIONS, dtype=jnp.int64 if jax.config.jax_enable_x64 else jnp.int32)
    table = jax.random.normal(k3, (N_SESSIONS, EMBED_DIM), dtype=jnp.float32)
    return {"emg_features": emg_features, "session_ids": session_ids, "table": table}

def reference(emg_features, session_ids, table):
    # embedding lookup: (B, embed_dim)
    embed = jnp.take(table, session_ids, axis=0)
    # unsqueeze(1).expand(-1, T, -1): (B, T, embed_dim)
    embed = jnp.broadcast_to(embed[:, None, :], (emg_features.shape[0], emg_features.shape[1], embed.shape[-1]))
    # concat along last dim -> (B, T, 112 + 32)
    return jnp.concatenate([emg_features, embed], axis=-1)

if __name__ == "__main__":
    import jax
    _d = setup_inputs()
    print(jax.jit(kernel)(*tuple(_d.values())))

</pallas_src>

<mosaic_0001>
#map = affine_map<(d0, d1) -> (0, 0)>
#map1 = affine_map<(d0, d1) -> (0)>
module attributes {stable_mosaic.version = 14 : i64} {
  func.func @gather_k(%arg0: i32, %arg1: i32, %arg2: memref<1000x128xf32, #tpu.memory_space<hbm>>, %arg3: memref<1024xi32, #tpu.memory_space<hbm>>, %arg4: memref<1024x128xf32, #tpu.memory_space<hbm>>, %arg5: memref<32xi32, #tpu.memory_space<vmem>>, %arg6: memref<32x128xf32, #tpu.memory_space<vmem>>, %arg7: memref<!tpu.dma_semaphore, #tpu.memory_space<semaphore_mem>>) attributes {dimension_semantics = [#tpu.dimension_semantics<core_parallel>, #tpu.dimension_semantics<subcore_parallel>], iteration_bounds = array<i64: 2, 16>, scalar_prefetch = 0 : i64, scratch_operands = 3 : i64, tpu.core_type = #tpu.core_type<sc_vector_subcore>, window_params = [{transform_indices = #map}, {transform_indices = #map1}, {transform_indices = #map}]} {
    %mul3A = arith.constant 2 : i32
    %mul3A_0 = arith.muli %arg1, %mul3A : i32
    %add3A = arith.addi %mul3A_0, %arg0 : i32
    %mul3A_1 = arith.constant 32 : i32
    %mul3A_2 = arith.muli %add3A, %mul3A_1 : i32
    "tpu.region"() ({
      %run_scoped3A = tpu.sem_alloc : memref<!tpu.dma_semaphore, #tpu.memory_space<semaphore_mem>>
      %dma_start3A_7 = tpu.memref_slice %arg3[%mul3A_2] : memref<1024xi32, #tpu.memory_space<hbm>> -> memref<32xi32, #tpu.memory_space<hbm>>
      %dma_start3A_8 = tpu.memref_slice %arg3[%mul3A_2] : memref<1024xi32, #tpu.memory_space<hbm>> -> memref<32xi32, #tpu.memory_space<hbm>>
      tpu.enqueue_dma source(%dma_start3A_8 : memref<32xi32, #tpu.memory_space<hbm>>) target(%arg5 : memref<32xi32, #tpu.memory_space<vmem>>) target_semaphore(%run_scoped3A : memref<!tpu.dma_semaphore, #tpu.memory_space<semaphore_mem>>)
      %dma_wait3A_9 = tpu.memref_slice %arg3[%mul3A_2] : memref<1024xi32, #tpu.memory_space<hbm>> -> memref<32xi32, #tpu.memory_space<hbm>>
      %dma_wait3A_10 = tpu.memref_slice %arg3[%mul3A_2] : memref<1024xi32, #tpu.memory_space<hbm>> -> memref<32xi32, #tpu.memory_space<hbm>>
      tpu.wait_dma2 semaphore(%run_scoped3A : memref<!tpu.dma_semaphore, #tpu.memory_space<semaphore_mem>>) src(%dma_wait3A_10 : memref<32xi32, #tpu.memory_space<hbm>>) dst(%arg5 : memref<32xi32, #tpu.memory_space<vmem>>)
      tpu.yield
    }) : () -> ()
    %dma_start3A = arith.constant 0 : i32
    %dma_start3A_3 = arith.constant 0 : i32
    %dma_start3A_4 = tpu.memref_slice %arg2[%dma_start3A, %dma_start3A_3] : memref<1000x128xf32, #tpu.memory_space<hbm>> -> memref<1000x128xf32, #tpu.memory_space<hbm>>
    tpu.enqueue_indirect_dma source(%dma_start3A_4 : memref<1000x128xf32, #tpu.memory_space<hbm>>) target(%arg6 : memref<32x128xf32, #tpu.memory_space<vmem>>) offsets(%arg5 : memref<32xi32, #tpu.memory_space<vmem>>) semaphore(%arg7 : memref<!tpu.dma_semaphore, #tpu.memory_space<semaphore_mem>>)
    %dma_wait3A = arith.constant 0 : i32
    %dma_wait3A_5 = arith.constant 0 : i32
    %dma_wait3A_6 = tpu.memref_slice %arg2[%dma_wait3A, %dma_wait3A_5] : memref<1000x128xf32, #tpu.memory_space<hbm>> -> memref<1000x128xf32, #tpu.memory_space<hbm>>
    tpu.wait_indirect_dma semaphore(%arg7 : memref<!tpu.dma_semaphore, #tpu.memory_space<semaphore_mem>>) src(%dma_wait3A_6 : memref<1000x128xf32, #tpu.memory_space<hbm>>) dst(%arg6 : memref<32x128xf32, #tpu.memory_space<vmem>>)
    "tpu.region"() ({
      %run_scoped3A = tpu.sem_alloc : memref<!tpu.dma_semaphore, #tpu.memory_space<semaphore_mem>>
      %dma_start3A_7 = arith.constant 0 : i32
      %dma_start3A_8 = tpu.memref_slice %arg4[%mul3A_2, %dma_start3A_7] : memref<1024x128xf32, #tpu.memory_space<hbm>> -> memref<32x128xf32, #tpu.memory_space<hbm>>
      %dma_start3A_9 = arith.constant 0 : i32
      %dma_start3A_10 = tpu.memref_slice %arg4[%mul3A_2, %dma_start3A_9] : memref<1024x128xf32, #tpu.memory_space<hbm>> -> memref<32x128xf32, #tpu.memory_space<hbm>>
      tpu.enqueue_dma source(%arg6 : memref<32x128xf32, #tpu.memory_space<vmem>>) target(%dma_start3A_10 : memref<32x128xf32, #tpu.memory_space<hbm>>) target_semaphore(%run_scoped3A : memref<!tpu.dma_semaphore, #tpu.memory_space<semaphore_mem>>)
      %dma_wait3A_11 = arith.constant 0 : i32
      %dma_wait3A_12 = tpu.memref_slice %arg4[%mul3A_2, %dma_wait3A_11] : memref<1024x128xf32, #tpu.memory_space<hbm>> -> memref<32x128xf32, #tpu.memory_space<hbm>>
      %dma_wait3A_13 = arith.constant 0 : i32
      %dma_wait3A_14 = tpu.memref_slice %arg4[%mul3A_2, %dma_wait3A_13] : memref<1024x128xf32, #tpu.memory_space<hbm>> -> memref<32x128xf32, #tpu.memory_space<hbm>>
      tpu.wait_dma2 semaphore(%run_scoped3A : memref<!tpu.dma_semaphore, #tpu.memory_space<semaphore_mem>>) src(%arg6 : memref<32x128xf32, #tpu.memory_space<vmem>>) dst(%dma_wait3A_14 : memref<32x128xf32, #tpu.memory_space<hbm>>)
      tpu.yield
    }) : () -> ()
    return
  }
}

module attributes {stable_mosaic.version = 14 : i64} {
  func.func @_concat_body(%arg0: i32, %arg1: memref<64x22400xf32, #tpu.memory_space<vmem>>, %arg2: memref<64x128xf32, #tpu.memory_space<vmem>>, %arg3: memref<64x28800xf32, #tpu.memory_space<vmem>>) attributes {dimension_semantics = [#tpu.dimension_semantics<arbitrary>], iteration_bounds = array<i64: 16>, scalar_prefetch = 0 : i64, scratch_operands = 0 : i64, tpu.core_type = #tpu.core_type<tc>, window_params = [{transform_indices = @transform_0, window_bounds = array<i64: 64, 22400>}, {transform_indices = @transform_1, window_bounds = array<i64: 64, 128>}, {transform_indices = @transform_2, window_bounds = array<i64: 64, 28800>}]} {
    %get3A = arith.constant 0 : index
    %get3A_0 = arith.constant 0 : index
    %get3A_1 = vector.load %arg2[%get3A, %get3A_0] : memref<64x128xf32, #tpu.memory_space<vmem>>, vector<64x32xf32>
    %get3A_2 = arith.constant 0 : index
    %get3A_3 = arith.constant 0 : index
    %get3A_4 = vector.load %arg1[%get3A_2, %get3A_3] : memref<64x22400xf32, #tpu.memory_space<vmem>>, vector<64x112xf32>
    %swap3A = arith.constant 0 : index
    %swap3A_5 = arith.constant 0 : index
    %swap3A_6 = vector.load %arg3[%swap3A, %swap3A_5] : memref<64x28800xf32, #tpu.memory_space<vmem>>, vector<64x112xf32>
    tpu.vector_store %arg3[%swap3A, %swap3A_5], %get3A_4 {strides = array<i32>} : memref<64x28800xf32, #tpu.memory_space<vmem>>, vector<64x112xf32>,
    %swap3A_7 = arith.constant 0 : index
    %swap3A_8 = arith.constant 112 : index
    %swap3A_9 = vector.load %arg3[%swap3A_7, %swap3A_8] : memref<64x28800xf32, #tpu.memory_space<vmem>>, vector<64x32xf32>
    tpu.vector_store %arg3[%swap3A_7, %swap3A_8], %get3A_1 {strides = array<i32>} : memref<64x28800xf32, #tpu.memory_space<vmem>>, vector<64x32xf32>,
    %get3A_10 = arith.constant 0 : index
    %get3A_11 = arith.constant 112 : index
    %get3A_12 = vector.load %arg1[%get3A_10, %get3A_11] : memref<64x22400xf32, #tpu.memory_space<vmem>>, vector<64x112xf32>
    %swap3A_13 = arith.constant 0 : index
    %swap3A_14 = arith.constant 144 : index
    %swap3A_15 = vector.load %arg3[%swap3A_13, %swap3A_14] : memref<64x28800xf32, #tpu.memory_space<vmem>>, vector<64x112xf32>
    tpu.vector_store %arg3[%swap3A_13, %swap3A_14], %get3A_12 {strides = array<i32>} : memref<64x28800xf32, #tpu.memory_space<vmem>>, vector<64x112xf32>,
    %swap3A_16 = arith.constant 0 : index
    %swap3A_17 = arith.constant 256 : index
    %swap3A_18 = vector.load %arg3[%swap3A_16, %swap3A_17] : memref<64x28800xf32, #tpu.memory_space<vmem>>, vector<64x32xf32>
    tpu.vector_store %arg3[%swap3A_16, %swap3A_17], %get3A_1 {strides = array<i32>} : memref<64x28800xf32, #tpu.memory_space<vmem>>, vector<64x32xf32>,
    %get3A_19 = arith.constant 0 : index
    %get3A_20 = arith.constant 224 : index
    %get3A_21 = vector.load %arg1[%get3A_19, %get3A_20] : memref<64x22400xf32, #tpu.memory_space<vmem>>, vector<64x112xf32>
    %swap3A_22 = arith.constant 0 : index
    %swap3A_23 = arith.constant 288 : index
    %swap3A_24 = vector.load %arg3[%swap3A_22, %swap3A_23] : memref<64x28800xf32, #tpu.memory_space<vmem>>, vector<64x112xf32>
    tpu.vector_store %arg3[%swap3A_22, %swap3A_23], %get3A_21 {strides = array<i32>} : memref<64x28800xf32, #tpu.memory_space<vmem>>, vector<64x112xf32>,
    %swap3A_25 = arith.constant 0 : index
    %swap3A_26 = arith.constant 400 : index
    %swap3A_27 = vector.load %arg3[%swap3A_25, %swap3A_26] : memref<64x28800xf32, #tpu.memory_space<vmem>>, vector<64x32xf32>
    tpu.vector_store %arg3[%swap3A_25, %swap3A_26], %get3A_1 {strides = array<i32>} : memref<64x28800xf32, #tpu.memory_space<vmem>>, vector<64x32xf32>,
    %get3A_28 = arith.constant 0 : index
    %get3A_29 = arith.constant 336 : index
    %get3A_30 = vector.load %arg1[%get3A_28, %get3A_29] : memref<64x22400xf32, #tpu.memory_space<vmem>>, vector<64x112xf32>
    %swap3A_31 = arith.constant 0 : index
    %swap3A_32 = arith.constant 432 : index
    %swap3A_33 = vector.load %arg3[%swap3A_31, %swap3A_32] : memref<64x28800xf32, #tpu.memory_space<vmem>>, vector<64x112xf32>
    tpu.vector_store %arg3[%swap3A_31, %swap3A_32], %get3A_30 {strides = array<i32>} : memref<64x28800xf32, #tpu.memory_space<vmem>>, vector<64x112xf32>,
    %swap3A_34 = arith.constant 0 : index
    %swap3A_35 = arith.constant 544 : index
    %swap3A_36 = vector.load %arg3[%swap3A_34, %swap3A_35] : memref<64x28800xf32, #tpu.memory_space<vmem>>, vector<64x32xf32>
    tpu.vector_store %arg3[%swap3A_34, %swap3A_35], %get3A_1 {strides = array<i32>} : memref<64x28800xf32, #tpu.memory_space<vmem>>, vector<64x32xf32>,
    %get3A_37 = arith.constant 0 : index
    %get3A_38 = arith.constant 448 : index
    %get3A_39 = vector.load %arg1[%get3A_37, %get3A_38] : memref<64x22400xf32, #tpu.memory_space<vmem>>, vector<64x112xf32>
    %swap3A_40 = arith.constant 0 : index
    %swap3A_41 = arith.constant 576 : index
    %swap3A_42 = vector.load %arg3[%swap3A_40, %swap3A_41] : memref<64x28800xf32, #tpu.memory_space<vmem>>, vector<64x112xf32>
    tpu.vector_store %arg3[%swap3A_40, %swap3A_41], %get3A_39 {strides = array<i32>} : memref<64x28800xf32, #tpu.memory_space<vmem>>, vector<64x112xf32>,
    %swap3A_43 = arith.constant 0 : index
    %swap3A_44 = arith.constant 688 : index
    %swap3A_45 = vector.load %arg3[%swap3A_43, %swap3A_44] : memref<64x28800xf32, #tpu.memory_space<vmem>>, vector<64x32xf32>
    tpu.vector_store %arg3[%swap3A_43, %swap3A_44], %get3A_1 {strides = array<i32>} : memref<64x28800xf32, #tpu.memory_space<vmem>>, vector<64x32xf32>,
    %get3A_46 = arith.constant 0 : index
    %get3A_47 = arith.constant 560 : index
    %get3A_48 = vector.load %arg1[%get3A_46, %get3A_47] : memref<64x22400xf32, #tpu.memory_space<vmem>>, vector<64x112xf32>
    %swap3A_49 = arith.constant 0 : index
    %swap3A_50 = arith.constant 720 : index
    %swap3A_51 = vector.load %arg3[%swap3A_49, %swap3A_50] : memref<64x28800xf32, #tpu.memory_space<vmem>>, vector<64x112xf32>
    tpu.vector_store %arg3[%swap3A_49, %swap3A_50], %get3A_48 {strides = array<i32>} : memref<64x28800xf32, #tpu.memory_space<vmem>>, vector<64x112xf32>,
    %swap3A_52 = arith.constant 0 : index
    %swap3A_53 = arith.constant 832 : index
    %swap3A_54 = vector.load %arg3[%swap3A_52, %swap3A_53] : memref<64x28800xf32, #tpu.memory_space<vmem>>, vector<64x32xf32>
    tpu.vector_store %arg3[%swap3A_52, %swap3A_53], %get3A_1 {strides = array<i32>} : memref<64x28800xf32, #tpu.memory_space<vmem>>, vector<64x32xf32>,
    %get3A_55 = arith.constant 0 : index
    %get3A_56 = arith.constant 672 : index
    %get3A_57 = vector.load %arg1[%get3A_55, %get3A_56] : memref<64x22400xf32, #tpu.memory_space<vmem>>, vector<64x112xf32>
    %swap3A_58 = arith.constant 0 : index
    %swap3A_59 = arith.constant 864 : index
    %swap3A_60 = vector.load %arg3[%swap3A_58, %swap3A_59] : memref<64x28800xf32, #tpu.memory_space<vmem>>, vector<64x112xf32>
    tpu.vector_store %arg3[%swap3A_58, %swap3A_59], %get3A_57 {strides = array<i32>} : memref<64x28800xf32, #tpu.memory_space<vmem>>, vector<64x112xf32>,
    %swap3A_61 = arith.constant 0 : index
    %swap3A_62 = arith.constant 976 : index
    %swap3A_63 = vector.load %arg3[%swap3A_61, %swap3A_62] : memref<64x28800xf32, #tpu.memory_space<vmem>>, vector<64x32xf32>
    tpu.vector_store %arg3[%swap3A_61, %swap3A_62], %get3A_1 {strides = array<i32>} : memref<64x28800xf32, #tpu.memory_space<vmem>>, vector<64x32xf32>,
    %get3A_64 = arith.constant 0 : index
    %get3A_65 = arith.constant 784 : index
    %get3A_66 = vector.load %arg1[%get3A_64, %get3A_65] : memref<64x22400xf32, #tpu.memory_space<vmem>>, vector<64x112xf32>
    %swap3A_67 = arith.constant 0 : index
    %swap3A_68 = arith.constant 1008 : index
    %swap3A_69 = vector.load %arg3[%swap3A_67, %swap3A_68] : memref<64x28800xf32, #tpu.memory_space<vmem>>, vector<64x112xf32>
    tpu.vector_store %arg3[%swap3A_67, %swap3A_68], %get3A_66 {strides = array<i32>} : memref<64x28800xf32, #tpu.memory_space<vmem>>, vector<64x112xf32>,
    %swap3A_70 = arith.constant 0 : index
    %swap3A_71 = arith.constant 1120 : index
    %swap3A_72 = vector.load %arg3[%swap3A_70, %swap3A_71] : memref<64x28800xf32, #tpu.memory_space<vmem>>, vector<64x32xf32>
    tpu.vector_store %arg3[%swap3A_70, %swap3A_71], %get3A_1 {strides = array<i32>} : memref<64x28800xf32, #tpu.memory_space<vmem>>, vector<64x32xf32>,
    %get3A_73 = arith.constant 0 : index
    %get3A_74 = arith.constant 896 : index
    %get3A_75 = vector.load %arg1[%get3A_73, %get3A_74] : memref<64x22400xf32, #tpu.memory_space<vmem>>, vector<64x112xf32>
    %swap3A_76 = arith.constant 0 : index
    %swap3A_77 = arith.constant 1152 : index
    %swap3A_78 = vector.load %arg3[%swap3A_76, %swap3A_77] : memref<64x28800xf32, #tpu.memory_space<vmem>>, vector<64x112xf32>
    tpu.vector_store %arg3[%swap3A_76, %swap3A_77], %get3A_75 {strides = array<i32>} : memref<64x28800xf32, #tpu.memory_space<vmem>>, vector<64x112xf32>,
    %swap3A_79 = arith.constant 0 : index
    %swap3A_80 = arith.constant 1264 : index
    %swap3A_81 = vector.load %arg3[%swap3A_79, %swap3A_80] : memref<64x28800xf32, #tpu.memory_space<vmem>>, vector<64x32xf32>
    tpu.vector_store %arg3[%swap3A_79, %swap3A_80], %get3A_1 {strides = array<i32>} : memref<64x28800xf32, #tpu.memory_space<vmem>>, vector<64x32xf32>,
    %get3A_82 = arith.constant 0 : index
    %get3A_83 = arith.constant 1008 : index
    %get3A_84 = vector.load %arg1[%get3A_82, %get3A_83] : memref<64x22400xf32, #tpu.memory_space<vmem>>, vector<64x112xf32>
    %swap3A_85 = arith.constant 0 : index
    %swap3A_86 = arith.constant 1296 : index
    %swap3A_87 = vector.load %arg3[%swap3A_85, %swap3A_86] : memref<64x28800xf32, #tpu.memory_space<vmem>>, vector<64x112xf32>
    tpu.vector_store %arg3[%swap3A_85, %swap3A_86], %get3A_84 {strides = array<i32>} : memref<64x28800xf32, #tpu.memory_space<vmem>>, vector<64x112xf32>,
    %swap3A_88 = arith.constant 0 : index
    %swap3A_89 = arith.constant 1408 : index
    %swap3A_90 = vector.load %arg3[%swap3A_88, %swap3A_89] : memref<64x28800xf32, #tpu.memory_space<vmem>>, vector<64x32xf32>
    tpu.vector_store %arg3[%swap3A_88, %swap3A_89], %get3A_1 {strides = array<i32>} : memref<64x28800xf32, #tpu.memory_space<vmem>>, vector<64x32xf32>,
    %get3A_91 = arith.constant 0 : index
    %get3A_92 = arith.constant 1120 : index
    %get3A_93 = vector.load %arg1[%get3A_91, %get3A_92] : memref<64x22400xf32, #tpu.memory_space<vmem>>, vector<64x112xf32>
    %swap3A_94 = arith.constant 0 : index
    %swap3A_95 = arith.constant 1440 : index
    %swap3A_96 = vector.load %arg3[%swap3A_94, %swap3A_95] : memref<64x28800xf32, #tpu.memory_space<vmem>>, vector<64x112xf32>
    tpu.vector_store %arg3[%swap3A_94, %swap3A_95], %get3A_93 {strides = array<i32>} : memref<64x28800xf32, #tpu.memory_space<vmem>>, vector<64x112xf32>,
    %swap3A_97 = arith.constant 0 : index
    %swap3A_98 = arith.constant 1552 : index
    %swap3A_99 = vector.load %arg3[%swap3A_97, %swap3A_98] : memref<64x28800xf32, #tpu.memory_space<vmem>>, vector<64x32xf32>
    tpu.vector_store %arg3[%swap3A_97, %swap3A_98], %get3A_1 {strides = array<i32>} : memref<64x28800xf32, #tpu.memory_space<vmem>>, vector<64x32xf32>,
    %get3A_100 = arith.constant 0 : index
    %get3A_101 = arith.constant 1232 : index
    %get3A_102 = vector.load %arg1[%get3A_100, %get3A_101] : memref<64x22400xf32, #tpu.memory_space<vmem>>, vector<64x112xf32>
    %swap3A_103 = arith.constant 0 : index
    %swap3A_104 = arith.constant 1584 : index
    %swap3A_105 = vector.load %arg3[%swap3A_103, %swap3A_104] : memref<64x28800xf32, #tpu.memory_space<vmem>>, vector<64x112xf32>
    tpu.vector_store %arg3[%swap3A_103, %swap3A_104], %get3A_102 {strides = array<i32>} : memref<64x28800xf32, #tpu.memory_space<vmem>>, vector<64x112xf32>,
    %swap3A_106 = arith.constant 0 : index
    %swap3A_107 = arith.constant 1696 : index
    %swap3A_108 = vector.load %arg3[%swap3A_106, %swap3A_107] : memref<64x28800xf32, #tpu.memory_space<vmem>>, vector<64x32xf32>
    tpu.vector_store %arg3[%swap3A_106, %swap3A_107], %get3A_1 {strides = array<i32>} : memref<64x28800xf32, #tpu.memory_space<vmem>>, vector<64x32xf32>,
    %get3A_109 = arith.constant 0 : index
    %get3A_110 = arith.constant 1344 : index
    %get3A_111 = vector.load %arg1[%get3A_109, %get3A_110] : memref<64x22400xf32, #tpu.memory_space<vmem>>, vector<64x112xf32>
    %swap3A_112 = arith.constant 0 : index
    %swap3A_113 = arith.constant 1728 : index
    %swap3A_114 = vector.load %arg3[%swap3A_112, %swap3A_113] : memref<64x28800xf32, #tpu.memory_space<vmem>>, vector<64x112xf32>
    tpu.vector_store %arg3[%swap3A_112, %swap3A_113], %get3A_111 {strides = array<i32>} : memref<64x28800xf32, #tpu.memory_space<vmem>>, vector<64x112xf32>,
    %swap3A_115 = arith.constant 0 : index
    %swap3A_116 = arith.constant 1840 : index
    %swap3A_117 = vector.load %arg3[%swap3A_115, %swap3A_116] : memref<64x28800xf32, #tpu.memory_space<vmem>>, vector<64x32xf32>
    tpu.vector_store %arg3[%swap3A_115, %swap3A_116], %get3A_1 {strides = array<i32>} : memref<64x28800xf32, #tpu.memory_space<vmem>>, vector<64x32xf32>,
    %get3A_118 = arith.constant 0 : index
    %get3A_119 = arith.constant 1456 : index
    %get3A_120 = vector.load %arg1[%get3A_118, %get3A_119] : memref<64x22400xf32, #tpu.memory_space<vmem>>, vector<64x112xf32>
    %swap3A_121 = arith.constant 0 : index
    %swap3A_122 = arith.constant 1872 : index
    %swap3A_123 = vector.load %arg3[%swap3A_121, %swap3A_122] : memref<64x28800xf32, #tpu.memory_space<vmem>>, vector<64x112xf32>
    tpu.vector_store %arg3[%swap3A_121, %swap3A_122], %get3A_120 {strides = array<i32>} : memref<64x28800xf32, #tpu.memory_space<vmem>>, vector<64x112xf32>,
    %swap3A_124 = arith.constant 0 : index
    %swap3A_125 = arith.constant 1984 : index
    %swap3A_126 = vector.load %arg3[%swap3A_124, %swap3A_125] : memref<64x28800xf32, #tpu.memory_space<vmem>>, vector<64x32xf32>
    tpu.vector_store %arg3[%swap3A_124, %swap3A_125], %get3A_1 {strides = array<i32>} : memref<64x28800xf32, #tpu.memory_space<vmem>>, vector<64x32xf32>,
    %get3A_127 = arith.constant 0 : index
    %get3A_128 = arith.constant 1568 : index
    %get3A_129 = vector.load %arg1[%get3A_127, %get3A_128] : memref<64x22400xf32, #tpu.memory_space<vmem>>, vector<64x112xf32>
    %swap3A_130 = arith.constant 0 : index
    %swap3A_131 = arith.constant 2016 : index
    %swap3A_132 = vector.load %arg3[%swap3A_130, %swap3A_131] : memref<64x28800xf32, #tpu.memory_space<vmem>>, vector<64x112xf32>
    tpu.vector_store %arg3[%swap3A_130, %swap3A_131], %get3A_129 {strides = array<i32>} : memref<64x28800xf32, #tpu.memory_space<vmem>>, vector<64x112xf32>,
    %swap3A_133 = arith.constant 0 : index
    %swap3A_134 = arith.constant 2128 : index
    %swap3A_135 = vector.load %arg3[%swap3A_133, %swap3A_134] : memref<64x28800xf32, #tpu.memory_space<vmem>>, vector<64x32xf32>
    tpu.vector_store %arg3[%swap3A_133, %swap3A_134], %get3A_1 {strides = array<i32>} : memref<64x28800xf32, #tpu.memory_space<vmem>>, vector<64x32xf32>,
    %get3A_136 = arith.constant 0 : index
    %get3A_137 = arith.constant 1680 : index
    %get3A_138 = vector.load %arg1[%get3A_136, %get3A_137] : memref<64x22400xf32, #tpu.memory_space<vmem>>, vector<64x112xf32>
    %swap3A_139 = arith.constant 0 : index
    %swap3A_140 = arith.constant 2160 : index
    %swap3A_141 = vector.load %arg3[%swap3A_139, %swap3A_140] : memref<64x28800xf32, #tpu.memory_space<vmem>>, vector<64x112xf32>
    tpu.vector_store %arg3[%swap3A_139, %swap3A_140], %get3A_138 {strides = array<i32>} : memref<64x28800xf32, #tpu.memory_space<vmem>>, vector<64x112xf32>,
    %swap3A_142 = arith.constant 0 : index
    %swap3A_143 = arith.constant 2272 : index
    %swap3A_144 = vector.load %arg3[%swap3A_142, %swap3A_143] : memref<64x28800xf32, #tpu.memory_space<vmem>>, vector<64x32xf32>
    tpu.vector_store %arg3[%swap3A_142, %swap3A_143], %get3A_1 {strides = array<i32>} : memref<64x28800xf32, #tpu.memory_space<vmem>>, vector<64x32xf32>,
    %get3A_145 = arith.constant 0 : index
    %get3A_146 = arith.constant 1792 : index
    %get3A_147 = vector.load %arg1[%get3A_145, %get3A_146] : memref<64x22400xf32, #tpu.memory_space<vmem>>, vector<64x112xf32>
    %swap3A_148 = arith.constant 0 : index
    %swap3A_149 = arith.constant 2304 : index
    %swap3A_150 = vector.load %arg3[%swap3A_148, %swap3A_149] : memref<64x28800xf32, #tpu.memory_space<vmem>>, vector<64x112xf32>
    tpu.vector_store %arg3[%swap3A_148, %swap3A_149], %get3A_147 {strides = array<i32>} : memref<64x28800xf32, #tpu.memory_space<vmem>>, vector<64x112xf32>,
    %swap3A_151 = arith.constant 0 : index
    %swap3A_152 = arith.constant 2416 : index
    %swap3A_153 = vector.load %arg3[%swap3A_151, %swap3A_152] : memref<64x28800xf32, #tpu.memory_space<vmem>>, vector<64x32xf32>
    tpu.vector_store %arg3[%swap3A_151, %swap3A_152], %get3A_1 {strides = array<i32>} : memref<64x28800xf32, #tpu.memory_space<vmem>>, vector<64x32xf32>,
    %get3A_154 = arith.constant 0 : index
    %get3A_155 = arith.constant 1904 : index
    %get3A_156 = vector.load %arg1[%get3A_154, %get3A_155] : memref<64x22400xf32, #tpu.memory_space<vmem>>, vector<64x112xf32>
    %swap3A_157 = arith.constant 0 : index
    %swap3A_158 = arith.constant 2448 : index
    %swap3A_159 = vector.load %arg3[%swap3A_157, %swap3A_158] : memref<64x28800xf32, #tpu.memory_space<vmem>>, vector<64x112xf32>
    tpu.vector_store %arg3[%swap3A_157, %swap3A_158], %get3A_156 {strides = array<i32>} : memref<64x28800xf32, #tpu.memory_space<vmem>>, vector<64x112xf32>,
    %swap3A_160 = arith.constant 0 : index
    %swap3A_161 = arith.constant 2560 : index
    %swap3A_162 = vector.load %arg3[%swap3A_160, %swap3A_161] : memref<64x28800xf32, #tpu.memory_space<vmem>>, vector<64x32xf32>
    tpu.vector_store %arg3[%swap3A_160, %swap3A_161], %get3A_1 {strides = array<i32>} : memref<64x28800xf32, #tpu.memory_space<vmem>>, vector<64x32xf32>,
    %get3A_163 = arith.constant 0 : index
    %get3A_164 = arith.constant 2016 : index
    %get3A_165 = vector.load %arg1[%get3A_163, %get3A_164] : memref<64x22400xf32, #tpu.memory_space<vmem>>, vector<64x112xf32>
    %swap3A_166 = arith.constant 0 : index
    %swap3A_167 = arith.constant 2592 : index
    %swap3A_168 = vector.load %arg3[%swap3A_166, %swap3A_167] : memref<64x28800xf32, #tpu.memory_space<vmem>>, vector<64x112xf32>
    tpu.vector_store %arg3[%swap3A_166, %swap3A_167], %get3A_165 {strides = array<i32>} : memref<64x28800xf32, #tpu.memory_space<vmem>>, vector<64x112xf32>,
    %swap3A_169 = arith.constant 0 : index
    %swap3A_170 = arith.constant 2704 : index
    %swap3A_171 = vector.load %arg3[%swap3A_169, %swap3A_170] : memref<64x28800xf32, #tpu.memory_space<vmem>>, vector<64x32xf32>
    tpu.vector_store %arg3[%swap3A_169, %swap3A_170], %get3A_1 {strides = array<i32>} : memref<64x28800xf32, #tpu.memory_space<vmem>>, vector<64x32xf32>,
    %get3A_172 = arith.constant 0 : index
    %get3A_173 = arith.constant 2128 : index
    %get3A_174 = vector.load %arg1[%get3A_172, %get3A_173] : memref<64x22400xf32, #tpu.memory_space<vmem>>, vector<64x112xf32>
    %swap3A_175 = arith.constant 0 : index
    %swap3A_176 = arith.constant 2736 : index
    %swap3A_177 = vector.load %arg3[%swap3A_175, %swap3A_176] : memref<64x28800xf32, #tpu.memory_space<vmem>>, vector<64x112xf32>
    tpu.vector_store %arg3[%swap3A_175, %swap3A_176], %get3A_174 {strides = array<i32>} : memref<64x28800xf32, #tpu.memory_space<vmem>>, vector<64x112xf32>,
    %swap3A_178 = arith.constant 0 : index
    %swap3A_179 = arith.constant 2848 : index
    %swap3A_180 = vector.load %arg3[%swap3A_178, %swap3A_179] : memref<64x28800xf32, #tpu.memory_space<vmem>>, vector<64x32xf32>
    tpu.vector_store %arg3[%swap3A_178, %swap3A_179], %get3A_1 {strides = array<i32>} : memref<64x28800xf32, #tpu.memory_space<vmem>>, vector<64x32xf32>,
    %get3A_181 = arith.constant 0 : index
    %get3A_182 = arith.constant 2240 : index
    %get3A_183 = vector.load %arg1[%get3A_181, %get3A_182] : memref<64x22400xf32, #tpu.memory_space<vmem>>, vector<64x112xf32>
    %swap3A_184 = arith.constant 0 : index
    %swap3A_185 = arith.constant 2880 : index
    %swap3A_186 = vector.load %arg3[%swap3A_184, %swap3A_185] : memref<64x28800xf32, #tpu.memory_space<vmem>>, vector<64x112xf32>
    tpu.vector_store %arg3[%swap3A_184, %swap3A_185], %get3A_183 {strides = array<i32>} : memref<64x28800xf32, #tpu.memory_space<vmem>>, vector<64x112xf32>,
    %swap3A_187 = arith.constant 0 : index
    %swap3A_188 = arith.constant 2992 : index
    %swap3A_189 = vector.load %arg3[%swap3A_187, %swap3A_188] : memref<64x28800xf32, #tpu.memory_space<vmem>>, vector<64x32xf32>
    tpu.vector_store %arg3[%swap3A_187, %swap3A_188], %get3A_1 {strides = array<i32>} : memref<64x28800xf32, #tpu.memory_space<vmem>>, vector<64x32xf32>,
    %get3A_190 = arith.constant 0 : index
    %get3A_191 = arith.constant 2352 : index
    %get3A_192 = vector.load %arg1[%get3A_190, %get3A_191] : memref<64x22400xf32, #tpu.memory_space<vmem>>, vector<64x112xf32>
    %swap3A_193 = arith.constant 0 : index
    %swap3A_194 = arith.constant 3024 : index
    %swap3A_195 = vector.load %arg3[%swap3A_193, %swap3A_194] : memref<64x28800xf32, #tpu.memory_space<vmem>>, vector<64x112xf32>
    tpu.vector_store %arg3[%swap3A_193, %swap3A_194], %get3A_192 {strides = array<i32>} : memref<64x28800xf32, #tpu.memory_space<vmem>>, vector<64x112xf32>,
    %swap3A_196 = arith.constant 0 : index
    %swap3A_197 = arith.constant 3136 : index
    %swap3A_198 = vector.load %arg3[%swap3A_196, %swap3A_197] : memref<64x28800xf32, #tpu.memory_space<vmem>>, vector<64x32xf32>
    tpu.vector_store %arg3[%swap3A_196, %swap3A_197], %get3A_1 {strides = array<i32>} : memref<64x28800xf32, #tpu.memory_space<vmem>>, vector<64x32xf32>,
    %get3A_199 = arith.constant 0 : index
    %get3A_200 = arith.constant 2464 : index
    %get3A_201 = vector.load %arg1[%get3A_199, %get3A_200] : memref<64x22400xf32, #tpu.memory_space<vmem>>, vector<64x112xf32>
    %swap3A_202 = arith.constant 0 : index
    %swap3A_203 = arith.constant 3168 : index
    %swap3A_204 = vector.load %arg3[%swap3A_202, %swap3A_203] : memref<64x28800xf32, #tpu.memory_space<vmem>>, vector<64x112xf32>
    tpu.vector_store %arg3[%swap3A_202, %swap3A_203], %get3A_201 {strides = array<i32>} : memref<64x28800xf32, #tpu.memory_space<vmem>>, vector<64x112xf32>,
    %swap3A_205 = arith.constant 0 : index
    %swap3A_206 = arith.constant 3280 : index
    %swap3A_207 = vector.load %arg3[%swap3A_205, %swap3A_206] : memref<64x28800xf32, #tpu.memory_space<vmem>>, vector<64x32xf32>
    tpu.vector_store %arg3[%swap3A_205, %swap3A_206], %get3A_1 {strides = array<i32>} : memref<64x28800xf32, #tpu.memory_space<vmem>>, vector<64x32xf32>,
    %get3A_208 = arith.constant 0 : index
    %get3A_209 = arith.constant 2576 : index
    %get3A_210 = vector.load %arg1[%get3A_208, %get3A_209] : memref<64x22400xf32, #tpu.memory_space<vmem>>, vector<64x112xf32>
    %swap3A_211 = arith.constant 0 : index
    %swap3A_212 = arith.constant 3312 : index
    %swap3A_213 = vector.load %arg3[%swap3A_211, %swap3A_212] : memref<64x28800xf32, #tpu.memory_space<vmem>>, vector<64x112xf32>
    tpu.vector_store %arg3[%swap3A_211, %swap3A_212], %get3A_210 {strides = array<i32>} : memref<64x28800xf32, #tpu.memory_space<vmem>>, vector<64x112xf32>,
    %swap3A_214 = arith.constant 0 : index
    %swap3A_215 = arith.constant 3424 : index
    %swap3A_216 = vector.load %arg3[%swap3A_214, %swap3A_215] : memref<64x28800xf32, #tpu.memory_space<vmem>>, vector<64x32xf32>
    tpu.vector_store %arg3[%swap3A_214, %swap3A_215], %get3A_1 {strides = array<i32>} : memref<64x28800xf32, #tpu.memory_space<vmem>>, vector<64x32xf32>,
    %get3A_217 = arith.constant 0 : index
    %get3A_218 = arith.constant 2688 : index
    %get3A_219 = vector.load %arg1[%get3A_217, %get3A_218] : memref<64x22400xf32, #tpu.memory_space<vmem>>, vector<64x112xf32>
    %swap3A_220 = arith.constant 0 : index
    %swap3A_221 = arith.constant 3456 : index
    %swap3A_222 = vector.load %arg3[%swap3A_220, %swap3A_221] : memref<64x28800xf32, #tpu.memory_space<vmem>>, vector<64x112xf32>
    tpu.vector_store %arg3[%swap3A_220, %swap3A_221], %get3A_219 {strides = array<i32>} : memref<64x28800xf32, #tpu.memory_space<vmem>>, vector<64x112xf32>,
    %swap3A_223 = arith.constant 0 : index
    %swap3A_224 = arith.constant 3568 : index
    %swap3A_225 = vector.load %arg3[%swap3A_223, %swap3A_224] : memref<64x28800xf32, #tpu.memory_space<vmem>>, vector<64x32xf32>
    tpu.vector_store %arg3[%swap3A_223, %swap3A_224], %get3A_1 {strides = array<i32>} : memref<64x28800xf32, #tpu.memory_space<vmem>>, vector<64x32xf32>,
    %get3A_226 = arith.constant 0 : index
    %get3A_227 = arith.constant 2800 : index
    %get3A_228 = vector.load %arg1[%get3A_226, %get3A_227] : memref<64x22400xf32, #tpu.memory_space<vmem>>, vector<64x112xf32>
    %swap3A_229 = arith.constant 0 : index
    %swap3A_230 = arith.constant 3600 : index
    %swap3A_231 = vector.load %arg3[%swap3A_229, %swap3A_230] : memref<64x28800xf32, #tpu.memory_space<vmem>>, vector<64x112xf32>
    tpu.vector_store %arg3[%swap3A_229, %swap3A_230], %get3A_228 {strides = array<i32>} : memref<64x28800xf32, #tpu.memory_space<vmem>>, vector<64x112xf32>,
    %swap3A_232 = arith.constant 0 : index
    %swap3A_233 = arith.constant 3712 : index
    %swap3A_234 = vector.load %arg3[%swap3A_232, %swap3A_233] : memref<64x28800xf32, #tpu.memory_space<vmem>>, vector<64x32xf32>
    tpu.vector_store %arg3[%swap3A_232, %swap3A_233], %get3A_1 {strides = array<i32>} : memref<64x28800xf32, #tpu.memory_space<vmem>>, vector<64x32xf32>,
    %get3A_235 = arith.constant 0 : index
    %get3A_236 = arith.constant 2912 : index
    %get3A_237 = vector.load %arg1[%get3A_235, %get3A_236] : memref<64x22400xf32, #tpu.memory_space<vmem>>, vector<64x112xf32>
    %swap3A_238 = arith.constant 0 : index
    %swap3A_239 = arith.constant 3744 : index
    %swap3A_240 = vector.load %arg3[%swap3A_238, %swap3A_239] : memref<64x28800xf32, #tpu.memory_space<vmem>>, vector<64x112xf32>
    tpu.vector_store %arg3[%swap3A_238, %swap3A_239], %get3A_237 {strides = array<i32>} : memref<64x28800xf32, #tpu.memory_space<vmem>>, vector<64x112xf32>,
    %swap3A_241 = arith.constant 0 : index
    %swap3A_242 = arith.constant 3856 : index
    %swap3A_243 = vector.load %arg3[%swap3A_241, %swap3A_242] : memref<64x28800xf32, #tpu.memory_space<vmem>>, vector<64x32xf32>
    tpu.vector_store %arg3[%swap3A_241, %swap3A_242], %get3A_1 {strides = array<i32>} : memref<64x28800xf32, #tpu.memory_space<vmem>>, vector<64x32xf32>,
    %get3A_244 = arith.constant 0 : index
    %get3A_245 = arith.constant 3024 : index
    %get3A_246 = vector.load %arg1[%get3A_244, %get3A_245] : memref<64x22400xf32, #tpu.memory_space<vmem>>, vector<64x112xf32>
    %swap3A_247 = arith.constant 0 : index
    %swap3A_248 = arith.constant 3888 : index
    %swap3A_249 = vector.load %arg3[%swap3A_247, %swap3A_248] : memref<64x28800xf32, #tpu.memory_space<vmem>>, vector<64x112xf32>
    tpu.vector_store %arg3[%swap3A_247, %swap3A_248], %get3A_246 {strides = array<i32>} : memref<64x28800xf32, #tpu.memory_space<vmem>>, vector<64x112xf32>,
    %swap3A_250 = arith.constant 0 : index
    %swap3A_251 = arith.constant 4000 : index
    %swap3A_252 = vector.load %arg3[%swap3A_250, %swap3A_251] : memref<64x28800xf32, #tpu.memory_space<vmem>>, vector<64x32xf32>
    tpu.vector_store %arg3[%swap3A_250, %swap3A_251], %get3A_1 {strides = array<i32>} : memref<64x28800xf32, #tpu.memory_space<vmem>>, vector<64x32xf32>,
    %get3A_253 = arith.constant 0 : index
    %get3A_254 = arith.constant 3136 : index
    %get3A_255 = vector.load %arg1[%get3A_253, %get3A_254] : memref<64x22400xf32, #tpu.memory_space<vmem>>, vector<64x112xf32>
    %swap3A_256 = arith.constant 0 : index
    %swap3A_257 = arith.constant 4032 : index
    %swap3A_258 = vector.load %arg3[%swap3A_256, %swap3A_257] : memref<64x28800xf32, #tpu.memory_space<vmem>>, vector<64x112xf32>
    tpu.vector_store %arg3[%swap3A_256, %swap3A_257], %get3A_255 {strides = array<i32>} : memref<64x28800xf32, #tpu.memory_space<vmem>>, vector<64x112xf32>,
    %swap3A_259 = arith.constant 0 : index
    %swap3A_260 = arith.constant 4144 : index
    %swap3A_261 = vector.load %arg3[%swap3A_259, %swap3A_260] : memref<64x28800xf32, #tpu.memory_space<vmem>>, vector<64x32xf32>
    tpu.vector_store %arg3[%swap3A_259, %swap3A_260], %get3A_1 {strides = array<i32>} : memref<64x28800xf32, #tpu.memory_space<vmem>>, vector<64x32xf32>,
    %get3A_262 = arith.constant 0 : index
    %get3A_263 = arith.constant 3248 : index
    %get3A_264 = vector.load %arg1[%get3A_262, %get3A_263] : memref<64x22400xf32, #tpu.memory_space<vmem>>, vector<64x112xf32>
    %swap3A_265 = arith.constant 0 : index
    %swap3A_266 = arith.constant 4176 : index
    %swap3A_267 = vector.load %arg3[%swap3A_265, %swap3A_266] : memref<64x28800xf32, #tpu.memory_space<vmem>>, vector<64x112xf32>
    tpu.vector_store %arg3[%swap3A_265, %swap3A_266], %get3A_264 {strides = array<i32>} : memref<64x28800xf32, #tpu.memory_space<vmem>>, vector<64x112xf32>,
    %swap3A_268 = arith.constant 0 : index
    %swap3A_269 = arith.constant 4288 : index
    %swap3A_270 = vector.load %arg3[%swap3A_268, %swap3A_269] : memref<64x28800xf32, #tpu.memory_space<vmem>>, vector<64x32xf32>
    tpu.vector_store %arg3[%swap3A_268, %swap3A_269], %get3A_1 {strides = array<i32>} : memref<64x28800xf32, #tpu.memory_space<vmem>>, vector<64x32xf32>,
    %get3A_271 = arith.constant 0 : index
    %get3A_272 = arith.constant 3360 : index
    %get3A_273 = vector.load %arg1[%get3A_271, %get3A_272] : memref<64x22400xf32, #tpu.memory_space<vmem>>, vector<64x112xf32>
    %swap3A_274 = arith.constant 0 : index
    %swap3A_275 = arith.constant 4320 : index
    %swap3A_276 = vector.load %arg3[%swap3A_274, %swap3A_275] : memref<64x28800xf32, #tpu.memory_space<vmem>>, vector<64x112xf32>
    tpu.vector_store %arg3[%swap3A_274, %swap3A_275], %get3A_273 {strides = array<i32>} : memref<64x28800xf32, #tpu.memory_space<vmem>>, vector<64x112xf32>,
    %swap3A_277 = arith.constant 0 : index
    %swap3A_278 = arith.constant 4432 : index
    %swap3A_279 = vector.load %arg3[%swap3A_277, %swap3A_278] : memref<64x28800xf32, #tpu.memory_space<vmem>>, vector<64x32xf32>
    tpu.vector_store %arg3[%swap3A_277, %swap3A_278], %get3A_1 {strides = array<i32>} : memref<64x28800xf32, #tpu.memory_space<vmem>>, vector<64x32xf32>,
    %get3A_280 = arith.constant 0 : index
    %get3A_281 = arith.constant 3472 : index
    %get3A_282 = vector.load %arg1[%get3A_280, %get3A_281] : memref<64x22400xf32, #tpu.memory_space<vmem>>, vector<64x112xf32>
    %swap3A_283 = arith.constant 0 : index
    %swap3A_284 = arith.constant 4464 : index
    %swap3A_285 = vector.load %arg3[%swap3A_283, %swap3A_284] : memref<64x28800xf32, #tpu.memory_space<vmem>>, vector<64x112xf32>
    tpu.vector_store %arg3[%swap3A_283, %swap3A_284], %get3A_282 {strides = array<i32>} : memref<64x28800xf32, #tpu.memory_space<vmem>>, vector<64x112xf32>,
    %swap3A_286 = arith.constant 0 : index
    %swap3A_287 = arith.constant 4576 : index
    %swap3A_288 = vector.load %arg3[%swap3A_286, %swap3A_287] : memref<64x28800xf32, #tpu.memory_space<vmem>>, vector<64x32xf32>
    tpu.vector_store %arg3[%swap3A_286, %swap3A_287], %get3A_1 {strides = array<i32>} : memref<64x28800xf32, #tpu.memory_space<vmem>>, vector<64x32xf32>,
    %get3A_289 = arith.constant 0 : index
    %get3A_290 = arith.constant 3584 : index
    %get3A_291 = vector.load %arg1[%get3A_289, %get3A_290] : memref<64x22400xf32, #tpu.memory_space<vmem>>, vector<64x112xf32>
    %swap3A_292 = arith.constant 0 : index
    %swap3A_293 = arith.constant 4608 : index
    %swap3A_294 = vector.load %arg3[%swap3A_292, %swap3A_293] : memref<64x28800xf32, #tpu.memory_space<vmem>>, vector<64x112xf32>
    tpu.vector_store %arg3[%swap3A_292, %swap3A_293], %get3A_291 {strides = array<i32>} : memref<64x28800xf32, #tpu.memory_space<vmem>>, vector<64x112xf32>,
    %swap3A_295 = arith.constant 0 : index
    %swap3A_296 = arith.constant 4720 : index
    %swap3A_297 = vector.load %arg3[%swap3A_295, %swap3A_296] : memref<64x28800xf32, #tpu.memory_space<vmem>>, vector<64x32xf32>
    tpu.vector_store %arg3[%swap3A_295, %swap3A_296], %get3A_1 {strides = array<i32>} : memref<64x28800xf32, #tpu.memory_space<vmem>>, vector<64x32xf32>,
    %get3A_298 = arith.constant 0 : index
    %get3A_299 = arith.constant 3696 : index
    %get3A_300 = vector.load %arg1[%get3A_298, %get3A_299] : memref<64x22400xf32, #tpu.memory_space<vmem>>, vector<64x112xf32>
    %swap3A_301 = arith.constant 0 : index
    %swap3A_302 = arith.constant 4752 : index
    %swap3A_303 = vector.load %arg3[%swap3A_301, %swap3A_302] : memref<64x28800xf32, #tpu.memory_space<vmem>>, vector<64x112xf32>
    tpu.vector_store %arg3[%swap3A_301, %swap3A_302], %get3A_300 {strides = array<i32>} : memref<64x28800xf32, #tpu.memory_space<vmem>>, vector<64x112xf32>,
    %swap3A_304 = arith.constant 0 : index
    %swap3A_305 = arith.constant 4864 : index
    %swap3A_306 = vector.load %arg3[%swap3A_304, %swap3A_305] : memref<64x28800xf32, #tpu.memory_space<vmem>>, vector<64x32xf32>
    tpu.vector_store %arg3[%swap3A_304, %swap3A_305], %get3A_1 {strides = array<i32>} : memref<64x28800xf32, #tpu.memory_space<vmem>>, vector<64x32xf32>,
    %get3A_307 = arith.constant 0 : index
    %get3A_308 = arith.constant 3808 : index
    %get3A_309 = vector.load %arg1[%get3A_307, %get3A_308] : memref<64x22400xf32, #tpu.memory_space<vmem>>, vector<64x112xf32>
    %swap3A_310 = arith.constant 0 : index
    %swap3A_311 = arith.constant 4896 : index
    %swap3A_312 = vector.load %arg3[%swap3A_310, %swap3A_311] : memref<64x28800xf32, #tpu.memory_space<vmem>>, vector<64x112xf32>
    tpu.vector_store %arg3[%swap3A_310, %swap3A_311], %get3A_309 {strides = array<i32>} : memref<64x28800xf32, #tpu.memory_space<vmem>>, vector<64x112xf32>,
    %swap3A_313 = arith.constant 0 : index
    %swap3A_314 = arith.constant 5008 : index
    %swap3A_315 = vector.load %arg3[%swap3A_313, %swap3A_314] : memref<64x28800xf32, #tpu.memory_space<vmem>>, vector<64x32xf32>
    tpu.vector_store %arg3[%swap3A_313, %swap3A_314], %get3A_1 {strides = array<i32>} : memref<64x28800xf32, #tpu.memory_space<vmem>>, vector<64x32xf32>,
    %get3A_316 = arith.constant 0 : index
    %get3A_317 = arith.constant 3920 : index
    %get3A_318 = vector.load %arg1[%get3A_316, %get3A_317] : memref<64x22400xf32, #tpu.memory_space<vmem>>, vector<64x112xf32>
    %swap3A_319 = arith.constant 0 : index
    %swap3A_320 = arith.constant 5040 : index
    %swap3A_321 = vector.load %arg3[%swap3A_319, %swap3A_320] : memref<64x28800xf32, #tpu.memory_space<vmem>>, vector<64x112xf32>
    tpu.vector_store %arg3[%swap3A_319, %swap3A_320], %get3A_318 {strides = array<i32>} : memref<64x28800xf32, #tpu.memory_space<vmem>>, vector<64x112xf32>,
    %swap3A_322 = arith.constant 0 : index
    %swap3A_323 = arith.constant 5152 : index
    %swap3A_324 = vector.load %arg3[%swap3A_322, %swap3A_323] : memref<64x28800xf32, #tpu.memory_space<vmem>>, vector<64x32xf32>
    tpu.vector_store %arg3[%swap3A_322, %swap3A_323], %get3A_1 {strides = array<i32>} : memref<64x28800xf32, #tpu.memory_space<vmem>>, vector<64x32xf32>,
    %get3A_325 = arith.constant 0 : index
    %get3A_326 = arith.constant 4032 : index
    %get3A_327 = vector.load %arg1[%get3A_325, %get3A_326] : memref<64x22400xf32, #tpu.memory_space<vmem>>, vector<64x112xf32>
    %swap3A_328 = arith.constant 0 : index
    %swap3A_329 = arith.constant 5184 : index
    %swap3A_330 = vector.load %arg3[%swap3A_328, %swap3A_329] : memref<64x28800xf32, #tpu.memory_space<vmem>>, vector<64x112xf32>
    tpu.vector_store %arg3[%swap3A_328, %swap3A_329], %get3A_327 {strides = array<i32>} : memref<64x28800xf32, #tpu.memory_space<vmem>>, vector<64x112xf32>,
    %swap3A_331 = arith.constant 0 : index
    %swap3A_332 = arith.constant 5296 : index
    %swap3A_333 = vector.load %arg3[%swap3A_331, %swap3A_332] : memref<64x28800xf32, #tpu.memory_space<vmem>>, vector<64x32xf32>
    tpu.vector_store %arg3[%swap3A_331, %swap3A_332], %get3A_1 {strides = array<i32>} : memref<64x28800xf32, #tpu.memory_space<vmem>>, vector<64x32xf32>,
    %get3A_334 = arith.constant 0 : index
    %get3A_335 = arith.constant 4144 : index
    %get3A_336 = vector.load %arg1[%get3A_334, %get3A_335] : memref<64x22400xf32, #tpu.memory_space<vmem>>, vector<64x112xf32>
    %swap3A_337 = arith.constant 0 : index
    %swap3A_338 = arith.constant 5328 : index
    %swap3A_339 = vector.load %arg3[%swap3A_337, %swap3A_338] : memref<64x28800xf32, #tpu.memory_space<vmem>>, vector<64x112xf32>
    tpu.vector_store %arg3[%swap3A_337, %swap3A_338], %get3A_336 {strides = array<i32>} : memref<64x28800xf32, #tpu.memory_space<vmem>>, vector<64x112xf32>,
    %swap3A_340 = arith.constant 0 : index
    %swap3A_341 = arith.constant 5440 : index
    %swap3A_342 = vector.load %arg3[%swap3A_340, %swap3A_341] : memref<64x28800xf32, #tpu.memory_space<vmem>>, vector<64x32xf32>
    tpu.vector_store %arg3[%swap3A_340, %swap3A_341], %get3A_1 {strides = array<i32>} : memref<64x28800xf32, #tpu.memory_space<vmem>>, vector<64x32xf32>,
    %get3A_343 = arith.constant 0 : index
    %get3A_344 = arith.constant 4256 : index
    %get3A_345 = vector.load %arg1[%get3A_343, %get3A_344] : memref<64x22400xf32, #tpu.memory_space<vmem>>, vector<64x112xf32>
    %swap3A_346 = arith.constant 0 : index
    %swap3A_347 = arith.constant 5472 : index
    %swap3A_348 = vector.load %arg3[%swap3A_346, %swap3A_347] : memref<64x28800xf32, #tpu.memory_space<vmem>>, vector<64x112xf32>
    tpu.vector_store %arg3[%swap3A_346, %swap3A_347], %get3A_345 {strides = array<i32>} : memref<64x28800xf32, #tpu.memory_space<vmem>>, vector<64x112xf32>,
    %swap3A_349 = arith.constant 0 : index
    %swap3A_350 = arith.constant 5584 : index
    %swap3A_351 = vector.load %arg3[%swap3A_349, %swap3A_350] : memref<64x28800xf32, #tpu.memory_space<vmem>>, vector<64x32xf32>
    tpu.vector_store %arg3[%swap3A_349, %swap3A_350], %get3A_1 {strides = array<i32>} : memref<64x28800xf32, #tpu.memory_space<vmem>>, vector<64x32xf32>,
    %get3A_352 = arith.constant 0 : index
    %get3A_353 = arith.constant 4368 : index
    %get3A_354 = vector.load %arg1[%get3A_352, %get3A_353] : memref<64x22400xf32, #tpu.memory_space<vmem>>, vector<64x112xf32>
    %swap3A_355 = arith.constant 0 : index
    %swap3A_356 = arith.constant 5616 : index
    %swap3A_357 = vector.load %arg3[%swap3A_355, %swap3A_356] : memref<64x28800xf32, #tpu.memory_space<vmem>>, vector<64x112xf32>
    tpu.vector_store %arg3[%swap3A_355, %swap3A_356], %get3A_354 {strides = array<i32>} : memref<64x28800xf32, #tpu.memory_space<vmem>>, vector<64x112xf32>,
    %swap3A_358 = arith.constant 0 : index
    %swap3A_359 = arith.constant 5728 : index
    %swap3A_360 = vector.load %arg3[%swap3A_358, %swap3A_359] : memref<64x28800xf32, #tpu.memory_space<vmem>>, vector<64x32xf32>
    tpu.vector_store %arg3[%swap3A_358, %swap3A_359], %get3A_1 {strides = array<i32>} : memref<64x28800xf32, #tpu.memory_space<vmem>>, vector<64x32xf32>,
    %get3A_361 = arith.constant 0 : index
    %get3A_362 = arith.constant 4480 : index
    %get3A_363 = vector.load %arg1[%get3A_361, %get3A_362] : memref<64x22400xf32, #tpu.memory_space<vmem>>, vector<64x112xf32>
    %swap3A_364 = arith.constant 0 : index
    %swap3A_365 = arith.constant 5760 : index
    %swap3A_366 = vector.load %arg3[%swap3A_364, %swap3A_365] : memref<64x28800xf32, #tpu.memory_space<vmem>>, vector<64x112xf32>
    tpu.vector_store %arg3[%swap3A_364, %swap3A_365], %get3A_363 {strides = array<i32>} : memref<64x28800xf32, #tpu.memory_space<vmem>>, vector<64x112xf32>,
    %swap3A_367 = arith.constant 0 : index
    %swap3A_368 = arith.constant 5872 : index
    %swap3A_369 = vector.load %arg3[%swap3A_367, %swap3A_368] : memref<64x28800xf32, #tpu.memory_space<vmem>>, vector<64x32xf32>
    tpu.vector_store %arg3[%swap3A_367, %swap3A_368], %get3A_1 {strides = array<i32>} : memref<64x28800xf32, #tpu.memory_space<vmem>>, vector<64x32xf32>,
    %get3A_370 = arith.constant 0 : index
    %get3A_371 = arith.constant 4592 : index
    %get3A_372 = vector.load %arg1[%get3A_370, %get3A_371] : memref<64x22400xf32, #tpu.memory_space<vmem>>, vector<64x112xf32>
    %swap3A_373 = arith.constant 0 : index
    %swap3A_374 = arith.constant 5904 : index
    %swap3A_375 = vector.load %arg3[%swap3A_373, %swap3A_374] : memref<64x28800xf32, #tpu.memory_space<vmem>>, vector<64x112xf32>
    tpu.vector_store %arg3[%swap3A_373, %swap3A_374], %get3A_372 {strides = array<i32>} : memref<64x28800xf32, #tpu.memory_space<vmem>>, vector<64x112xf32>,
    %swap3A_376 = arith.constant 0 : index
    %swap3A_377 = arith.constant 6016 : index
    %swap3A_378 = vector.load %arg3[%swap3A_376, %swap3A_377] : memref<64x28800xf32, #tpu.memory_space<vmem>>, vector<64x32xf32>
    tpu.vector_store %arg3[%swap3A_376, %swap3A_377], %get3A_1 {strides = array<i32>} : memref<64x28800xf32, #tpu.memory_space<vmem>>, vector<64x32xf32>,
    %get3A_379 = arith.constant 0 : index
    %get3A_380 = arith.constant 4704 : index
    %get3A_381 = vector.load %arg1[%get3A_379, %get3A_380] : memref<64x22400xf32, #tpu.memory_space<vmem>>, vector<64x112xf32>
    %swap3A_382 = arith.constant 0 : index
    %swap3A_383 = arith.constant 6048 : index
    %swap3A_384 = vector.load %arg3[%swap3A_382, %swap3A_383] : memref<64x28800xf32, #tpu.memory_space<vmem>>, vector<64x112xf32>
    tpu.vector_store %arg3[%swap3A_382, %swap3A_383], %get3A_381 {strides = array<i32>} : memref<64x28800xf32, #tpu.memory_space<vmem>>, vector<64x112xf32>,
    %swap3A_385 = arith.constant 0 : index
    %swap3A_386 = arith.constant 6160 : index
    %swap3A_387 = vector.load %arg3[%swap3A_385, %swap3A_386] : memref<64x28800xf32, #tpu.memory_space<vmem>>, vector<64x32xf32>
    tpu.vector_store %arg3[%swap3A_385, %swap3A_386], %get3A_1 {strides = array<i32>} : memref<64x28800xf32, #tpu.memory_space<vmem>>, vector<64x32xf32>,
    %get3A_388 = arith.constant 0 : index
    %get3A_389 = arith.constant 4816 : index
    %get3A_390 = vector.load %arg1[%get3A_388, %get3A_389] : memref<64x22400xf32, #tpu.memory_space<vmem>>, vector<64x112xf32>
    %swap3A_391 = arith.constant 0 : index
    %swap3A_392 = arith.constant 6192 : index
    %swap3A_393 = vector.load %arg3[%swap3A_391, %swap3A_392] : memref<64x28800xf32, #tpu.memory_space<vmem>>, vector<64x112xf32>
    tpu.vector_store %arg3[%swap3A_391, %swap3A_392], %get3A_390 {strides = array<i32>} : memref<64x28800xf32, #tpu.memory_space<vmem>>, vector<64x112xf32>,
    %swap3A_394 = arith.constant 0 : index
    %swap3A_395 = arith.constant 6304 : index
    %swap3A_396 = vector.load %arg3[%swap3A_394, %swap3A_395] : memref<64x28800xf32, #tpu.memory_space<vmem>>, vector<64x32xf32>
    tpu.vector_store %arg3[%swap3A_394, %swap3A_395], %get3A_1 {strides = array<i32>} : memref<64x28800xf32, #tpu.memory_space<vmem>>, vector<64x32xf32>,
    %get3A_397 = arith.constant 0 : index
    %get3A_398 = arith.constant 4928 : index
    %get3A_399 = vector.load %arg1[%get3A_397, %get3A_398] : memref<64x22400xf32, #tpu.memory_space<vmem>>, vector<64x112xf32>
    %swap3A_400 = arith.constant 0 : index
    %swap3A_401 = arith.constant 6336 : index
    %swap3A_402 = vector.load %arg3[%swap3A_400, %swap3A_401] : memref<64x28800xf32, #tpu.memory_space<vmem>>, vector<64x112xf32>
    tpu.vector_store %arg3[%swap3A_400, %swap3A_401], %get3A_399 {strides = array<i32>} : memref<64x28800xf32, #tpu.memory_space<vmem>>, vector<64x112xf32>,
    %swap3A_403 = arith.constant 0 : index
    %swap3A_404 = arith.constant 6448 : index
    %swap3A_405 = vector.load %arg3[%swap3A_403, %swap3A_404] : memref<64x28800xf32, #tpu.memory_space<vmem>>, vector<64x32xf32>
    tpu.vector_store %arg3[%swap3A_403, %swap3A_404], %get3A_1 {strides = array<i32>} : memref<64x28800xf32, #tpu.memory_space<vmem>>, vector<64x32xf32>,
    %get3A_406 = arith.constant 0 : index
    %get3A_407 = arith.constant 5040 : index
    %get3A_408 = vector.load %arg1[%get3A_406, %get3A_407] : memref<64x22400xf32, #tpu.memory_space<vmem>>, vector<64x112xf32>
    %swap3A_409 = arith.constant 0 : index
    %swap3A_410 = arith.constant 6480 : index
    %swap3A_411 = vector.load %arg3[%swap3A_409, %swap3A_410] : memref<64x28800xf32, #tpu.memory_space<vmem>>, vector<64x112xf32>
    tpu.vector_store %arg3[%swap3A_409, %swap3A_410], %get3A_408 {strides = array<i32>} : memref<64x28800xf32, #tpu.memory_space<vmem>>, vector<64x112xf32>,
    %swap3A_412 = arith.constant 0 : index
    %swap3A_413 = arith.constant 6592 : index
    %swap3A_414 = vector.load %arg3[%swap3A_412, %swap3A_413] : memref<64x28800xf32, #tpu.memory_space<vmem>>, vector<64x32xf32>
    tpu.vector_store %arg3[%swap3A_412, %swap3A_413], %get3A_1 {strides = array<i32>} : memref<64x28800xf32, #tpu.memory_space<vmem>>, vector<64x32xf32>,
    %get3A_415 = arith.constant 0 : index
    %get3A_416 = arith.constant 5152 : index
    %get3A_417 = vector.load %arg1[%get3A_415, %get3A_416] : memref<64x22400xf32, #tpu.memory_space<vmem>>, vector<64x112xf32>
    %swap3A_418 = arith.constant 0 : index
    %swap3A_419 = arith.constant 6624 : index
    %swap3A_420 = vector.load %arg3[%swap3A_418, %swap3A_419] : memref<64x28800xf32, #tpu.memory_space<vmem>>, vector<64x112xf32>
    tpu.vector_store %arg3[%swap3A_418, %swap3A_419], %get3A_417 {strides = array<i32>} : memref<64x28800xf32, #tpu.memory_space<vmem>>, vector<64x112xf32>,
    %swap3A_421 = arith.constant 0 : index
    %swap3A_422 = arith.constant 6736 : index
    %swap3A_423 = vector.load %arg3[%swap3A_421, %swap3A_422] : memref<64x28800xf32, #tpu.memory_space<vmem>>, vector<64x32xf32>
    tpu.vector_store %arg3[%swap3A_421, %swap3A_422], %get3A_1 {strides = array<i32>} : memref<64x28800xf32, #tpu.memory_space<vmem>>, vector<64x32xf32>,
    %get3A_424 = arith.constant 0 : index
    %get3A_425 = arith.constant 5264 : index
    %get3A_426 = vector.load %arg1[%get3A_424, %get3A_425] : memref<64x22400xf32, #tpu.memory_space<vmem>>, vector<64x112xf32>
    %swap3A_427 = arith.constant 0 : index
    %swap3A_428 = arith.constant 6768 : index
    %swap3A_429 = vector.load %arg3[%swap3A_427, %swap3A_428] : memref<64x28800xf32, #tpu.memory_space<vmem>>, vector<64x112xf32>
    tpu.vector_store %arg3[%swap3A_427, %swap3A_428], %get3A_426 {strides = array<i32>} : memref<64x28800xf32, #tpu.memory_space<vmem>>, vector<64x112xf32>,
    %swap3A_430 = arith.constant 0 : index
    %swap3A_431 = arith.constant 6880 : index
    %swap3A_432 = vector.load %arg3[%swap3A_430, %swap3A_431] : memref<64x28800xf32, #tpu.memory_space<vmem>>, vector<64x32xf32>
    tpu.vector_store %arg3[%swap3A_430, %swap3A_431], %get3A_1 {strides = array<i32>} : memref<64x28800xf32, #tpu.memory_space<vmem>>, vector<64x32xf32>,
    %get3A_433 = arith.constant 0 : index
    %get3A_434 = arith.constant 5376 : index
    %get3A_435 = vector.load %arg1[%get3A_433, %get3A_434] : memref<64x22400xf32, #tpu.memory_space<vmem>>, vector<64x112xf32>
    %swap3A_436 = arith.constant 0 : index
    %swap3A_437 = arith.constant 6912 : index
    %swap3A_438 = vector.load %arg3[%swap3A_436, %swap3A_437] : memref<64x28800xf32, #tpu.memory_space<vmem>>, vector<64x112xf32>
    tpu.vector_store %arg3[%swap3A_436, %swap3A_437], %get3A_435 {strides = array<i32>} : memref<64x28800xf32, #tpu.memory_space<vmem>>, vector<64x112xf32>,
    %swap3A_439 = arith.constant 0 : index
    %swap3A_440 = arith.constant 7024 : index
    %swap3A_441 = vector.load %arg3[%swap3A_439, %swap3A_440] : memref<64x28800xf32, #tpu.memory_space<vmem>>, vector<64x32xf32>
    tpu.vector_store %arg3[%swap3A_439, %swap3A_440], %get3A_1 {strides = array<i32>} : memref<64x28800xf32, #tpu.memory_space<vmem>>, vector<64x32xf32>,
    %get3A_442 = arith.constant 0 : index
    %get3A_443 = arith.constant 5488 : index
    %get3A_444 = vector.load %arg1[%get3A_442, %get3A_443] : memref<64x22400xf32, #tpu.memory_space<vmem>>, vector<64x112xf32>
    %swap3A_445 = arith.constant 0 : index
    %swap3A_446 = arith.constant 7056 : index
    %swap3A_447 = vector.load %arg3[%swap3A_445, %swap3A_446] : memref<64x28800xf32, #tpu.memory_space<vmem>>, vector<64x112xf32>
    tpu.vector_store %arg3[%swap3A_445, %swap3A_446], %get3A_444 {strides = array<i32>} : memref<64x28800xf32, #tpu.memory_space<vmem>>, vector<64x112xf32>,
    %swap3A_448 = arith.constant 0 : index
    %swap3A_449 = arith.constant 7168 : index
    %swap3A_450 = vector.load %arg3[%swap3A_448, %swap3A_449] : memref<64x28800xf32, #tpu.memory_space<vmem>>, vector<64x32xf32>
    tpu.vector_store %arg3[%swap3A_448, %swap3A_449], %get3A_1 {strides = array<i32>} : memref<64x28800xf32, #tpu.memory_space<vmem>>, vector<64x32xf32>,
    %get3A_451 = arith.constant 0 : index
    %get3A_452 = arith.constant 5600 : index
    %get3A_453 = vector.load %arg1[%get3A_451, %get3A_452] : memref<64x22400xf32, #tpu.memory_space<vmem>>, vector<64x112xf32>
    %swap3A_454 = arith.constant 0 : index
    %swap3A_455 = arith.constant 7200 : index
    %swap3A_456 = vector.load %arg3[%swap3A_454, %swap3A_455] : memref<64x28800xf32, #tpu.memory_space<vmem>>, vector<64x112xf32>
    tpu.vector_store %arg3[%swap3A_454, %swap3A_455], %get3A_453 {strides = array<i32>} : memref<64x28800xf32, #tpu.memory_space<vmem>>, vector<64x112xf32>,
    %swap3A_457 = arith.constant 0 : index
    %swap3A_458 = arith.constant 7312 : index
    %swap3A_459 = vector.load %arg3[%swap3A_457, %swap3A_458] : memref<64x28800xf32, #tpu.memory_space<vmem>>, vector<64x32xf32>
    tpu.vector_store %arg3[%swap3A_457, %swap3A_458], %get3A_1 {strides = array<i32>} : memref<64x28800xf32, #tpu.memory_space<vmem>>, vector<64x32xf32>,
    %get3A_460 = arith.constant 0 : index
    %get3A_461 = arith.constant 5712 : index
    %get3A_462 = vector.load %arg1[%get3A_460, %get3A_461] : memref<64x22400xf32, #tpu.memory_space<vmem>>, vector<64x112xf32>
    %swap3A_463 = arith.constant 0 : index
    %swap3A_464 = arith.constant 7344 : index
    %swap3A_465 = vector.load %arg3[%swap3A_463, %swap3A_464] : memref<64x28800xf32, #tpu.memory_space<vmem>>, vector<64x112xf32>
    tpu.vector_store %arg3[%swap3A_463, %swap3A_464], %get3A_462 {strides = array<i32>} : memref<64x28800xf32, #tpu.memory_space<vmem>>, vector<64x112xf32>,
    %swap3A_466 = arith.constant 0 : index
    %swap3A_467 = arith.constant 7456 : index
    %swap3A_468 = vector.load %arg3[%swap3A_466, %swap3A_467] : memref<64x28800xf32, #tpu.memory_space<vmem>>, vector<64x32xf32>
    tpu.vector_store %arg3[%swap3A_466, %swap3A_467], %get3A_1 {strides = array<i32>} : memref<64x28800xf32, #tpu.memory_space<vmem>>, vector<64x32xf32>,
    %get3A_469 = arith.constant 0 : index
    %get3A_470 = arith.constant 5824 : index
    %get3A_471 = vector.load %arg1[%get3A_469, %get3A_470] : memref<64x22400xf32, #tpu.memory_space<vmem>>, vector<64x112xf32>
    %swap3A_472 = arith.constant 0 : index
    %swap3A_473 = arith.constant 7488 : index
    %swap3A_474 = vector.load %arg3[%swap3A_472, %swap3A_473] : memref<64x28800xf32, #tpu.memory_space<vmem>>, vector<64x112xf32>
    tpu.vector_store %arg3[%swap3A_472, %swap3A_473], %get3A_471 {strides = array<i32>} : memref<64x28800xf32, #tpu.memory_space<vmem>>, vector<64x112xf32>,
    %swap3A_475 = arith.constant 0 : index
    %swap3A_476 = arith.constant 7600 : index
    %swap3A_477 = vector.load %arg3[%swap3A_475, %swap3A_476] : memref<64x28800xf32, #tpu.memory_space<vmem>>, vector<64x32xf32>
    tpu.vector_store %arg3[%swap3A_475, %swap3A_476], %get3A_1 {strides = array<i32>} : memref<64x28800xf32, #tpu.memory_space<vmem>>, vector<64x32xf32>,
    %get3A_478 = arith.constant 0 : index
    %get3A_479 = arith.constant 5936 : index
    %get3A_480 = vector.load %arg1[%get3A_478, %get3A_479] : memref<64x22400xf32, #tpu.memory_space<vmem>>, vector<64x112xf32>
    %swap3A_481 = arith.constant 0 : index
    %swap3A_482 = arith.constant 7632 : index
    %swap3A_483 = vector.load %arg3[%swap3A_481, %swap3A_482] : memref<64x28800xf32, #tpu.memory_space<vmem>>, vector<64x112xf32>
    tpu.vector_store %arg3[%swap3A_481, %swap3A_482], %get3A_480 {strides = array<i32>} : memref<64x28800xf32, #tpu.memory_space<vmem>>, vector<64x112xf32>,
    %swap3A_484 = arith.constant 0 : index
    %swap3A_485 = arith.constant 7744 : index
    %swap3A_486 = vector.load %arg3[%swap3A_484, %swap3A_485] : memref<64x28800xf32, #tpu.memory_space<vmem>>, vector<64x32xf32>
    tpu.vector_store %arg3[%swap3A_484, %swap3A_485], %get3A_1 {strides = array<i32>} : memref<64x28800xf32, #tpu.memory_space<vmem>>, vector<64x32xf32>,
    %get3A_487 = arith.constant 0 : index
    %get3A_488 = arith.constant 6048 : index
    %get3A_489 = vector.load %arg1[%get3A_487, %get3A_488] : memref<64x22400xf32, #tpu.memory_space<vmem>>, vector<64x112xf32>
    %swap3A_490 = arith.constant 0 : index
    %swap3A_491 = arith.constant 7776 : index
    %swap3A_492 = vector.load %arg3[%swap3A_490, %swap3A_491] : memref<64x28800xf32, #tpu.memory_space<vmem>>, vector<64x112xf32>
    tpu.vector_store %arg3[%swap3A_490, %swap3A_491], %get3A_489 {strides = array<i32>} : memref<64x28800xf32, #tpu.memory_space<vmem>>, vector<64x112xf32>,
    %swap3A_493 = arith.constant 0 : index
    %swap3A_494 = arith.constant 7888 : index
    %swap3A_495 = vector.load %arg3[%swap3A_493, %swap3A_494] : memref<64x28800xf32, #tpu.memory_space<vmem>>, vector<64x32xf32>
    tpu.vector_store %arg3[%swap3A_493, %swap3A_494], %get3A_1 {strides = array<i32>} : memref<64x28800xf32, #tpu.memory_space<vmem>>, vector<64x32xf32>,
    %get3A_496 = arith.constant 0 : index
    %get3A_497 = arith.constant 6160 : index
    %get3A_498 = vector.load %arg1[%get3A_496, %get3A_497] : memref<64x22400xf32, #tpu.memory_space<vmem>>, vector<64x112xf32>
    %swap3A_499 = arith.constant 0 : index
    %swap3A_500 = arith.constant 7920 : index
    %swap3A_501 = vector.load %arg3[%swap3A_499, %swap3A_500] : memref<64x28800xf32, #tpu.memory_space<vmem>>, vector<64x112xf32>
    tpu.vector_store %arg3[%swap3A_499, %swap3A_500], %get3A_498 {strides = array<i32>} : memref<64x28800xf32, #tpu.memory_space<vmem>>, vector<64x112xf32>,
    %swap3A_502 = arith.constant 0 : index
    %swap3A_503 = arith.constant 8032 : index
    %swap3A_504 = vector.load %arg3[%swap3A_502, %swap3A_503] : memref<64x28800xf32, #tpu.memory_space<vmem>>, vector<64x32xf32>
    tpu.vector_store %arg3[%swap3A_502, %swap3A_503], %get3A_1 {strides = array<i32>} : memref<64x28800xf32, #tpu.memory_space<vmem>>, vector<64x32xf32>,
    %get3A_505 = arith.constant 0 : index
    %get3A_506 = arith.constant 6272 : index
    %get3A_507 = vector.load %arg1[%get3A_505, %get3A_506] : memref<64x22400xf32, #tpu.memory_space<vmem>>, vector<64x112xf32>
    %swap3A_508 = arith.constant 0 : index
    %swap3A_509 = arith.constant 8064 : index
    %swap3A_510 = vector.load %arg3[%swap3A_508, %swap3A_509] : memref<64x28800xf32, #tpu.memory_space<vmem>>, vector<64x112xf32>
    tpu.vector_store %arg3[%swap3A_508, %swap3A_509], %get3A_507 {strides = array<i32>} : memref<64x28800xf32, #tpu.memory_space<vmem>>, vector<64x112xf32>,
    %swap3A_511 = arith.constant 0 : index
    %swap3A_512 = arith.constant 8176 : index
    %swap3A_513 = vector.load %arg3[%swap3A_511, %swap3A_512] : memref<64x28800xf32, #tpu.memory_space<vmem>>, vector<64x32xf32>
    tpu.vector_store %arg3[%swap3A_511, %swap3A_512], %get3A_1 {strides = array<i32>} : memref<64x28800xf32, #tpu.memory_space<vmem>>, vector<64x32xf32>,
    %get3A_514 = arith.constant 0 : index
    %get3A_515 = arith.constant 6384 : index
    %get3A_516 = vector.load %arg1[%get3A_514, %get3A_515] : memref<64x22400xf32, #tpu.memory_space<vmem>>, vector<64x112xf32>
    %swap3A_517 = arith.constant 0 : index
    %swap3A_518 = arith.constant 8208 : index
    %swap3A_519 = vector.load %arg3[%swap3A_517, %swap3A_518] : memref<64x28800xf32, #tpu.memory_space<vmem>>, vector<64x112xf32>
    tpu.vector_store %arg3[%swap3A_517, %swap3A_518], %get3A_516 {strides = array<i32>} : memref<64x28800xf32, #tpu.memory_space<vmem>>, vector<64x112xf32>,
    %swap3A_520 = arith.constant 0 : index
    %swap3A_521 = arith.constant 8320 : index
    %swap3A_522 = vector.load %arg3[%swap3A_520, %swap3A_521] : memref<64x28800xf32, #tpu.memory_space<vmem>>, vector<64x32xf32>
    tpu.vector_store %arg3[%swap3A_520, %swap3A_521], %get3A_1 {strides = array<i32>} : memref<64x28800xf32, #tpu.memory_space<vmem>>, vector<64x32xf32>,
    %get3A_523 = arith.constant 0 : index
    %get3A_524 = arith.constant 6496 : index
    %get3A_525 = vector.load %arg1[%get3A_523, %get3A_524] : memref<64x22400xf32, #tpu.memory_space<vmem>>, vector<64x112xf32>
    %swap3A_526 = arith.constant 0 : index
    %swap3A_527 = arith.constant 8352 : index
    %swap3A_528 = vector.load %arg3[%swap3A_526, %swap3A_527] : memref<64x28800xf32, #tpu.memory_space<vmem>>, vector<64x112xf32>
    tpu.vector_store %arg3[%swap3A_526, %swap3A_527], %get3A_525 {strides = array<i32>} : memref<64x28800xf32, #tpu.memory_space<vmem>>, vector<64x112xf32>,
    %swap3A_529 = arith.constant 0 : index
    %swap3A_530 = arith.constant 8464 : index
    %swap3A_531 = vector.load %arg3[%swap3A_529, %swap3A_530] : memref<64x28800xf32, #tpu.memory_space<vmem>>, vector<64x32xf32>
    tpu.vector_store %arg3[%swap3A_529, %swap3A_530], %get3A_1 {strides = array<i32>} : memref<64x28800xf32, #tpu.memory_space<vmem>>, vector<64x32xf32>,
    %get3A_532 = arith.constant 0 : index
    %get3A_533 = arith.constant 6608 : index
    %get3A_534 = vector.load %arg1[%get3A_532, %get3A_533] : memref<64x22400xf32, #tpu.memory_space<vmem>>, vector<64x112xf32>
    %swap3A_535 = arith.constant 0 : index
    %swap3A_536 = arith.constant 8496 : index
    %swap3A_537 = vector.load %arg3[%swap3A_535, %swap3A_536] : memref<64x28800xf32, #tpu.memory_space<vmem>>, vector<64x112xf32>
    tpu.vector_store %arg3[%swap3A_535, %swap3A_536], %get3A_534 {strides = array<i32>} : memref<64x28800xf32, #tpu.memory_space<vmem>>, vector<64x112xf32>,
    %swap3A_538 = arith.constant 0 : index
    %swap3A_539 = arith.constant 8608 : index
    %swap3A_540 = vector.load %arg3[%swap3A_538, %swap3A_539] : memref<64x28800xf32, #tpu.memory_space<vmem>>, vector<64x32xf32>
    tpu.vector_store %arg3[%swap3A_538, %swap3A_539], %get3A_1 {strides = array<i32>} : memref<64x28800xf32, #tpu.memory_space<vmem>>, vector<64x32xf32>,
    %get3A_541 = arith.constant 0 : index
    %get3A_542 = arith.constant 6720 : index
    %get3A_543 = vector.load %arg1[%get3A_541, %get3A_542] : memref<64x22400xf32, #tpu.memory_space<vmem>>, vector<64x112xf32>
    %swap3A_544 = arith.constant 0 : index
    %swap3A_545 = arith.constant 8640 : index
    %swap3A_546 = vector.load %arg3[%swap3A_544, %swap3A_545] : memref<64x28800xf32, #tpu.memory_space<vmem>>, vector<64x112xf32>
    tpu.vector_store %arg3[%swap3A_544, %swap3A_545], %get3A_543 {strides = array<i32>} : memref<64x28800xf32, #tpu.memory_space<vmem>>, vector<64x112xf32>,
    %swap3A_547 = arith.constant 0 : index
    %swap3A_548 = arith.constant 8752 : index
    %swap3A_549 = vector.load %arg3[%swap3A_547, %swap3A_548] : memref<64x28800xf32, #tpu.memory_space<vmem>>, vector<64x32xf32>
    tpu.vector_store %arg3[%swap3A_547, %swap3A_548], %get3A_1 {strides = array<i32>} : memref<64x28800xf32, #tpu.memory_space<vmem>>, vector<64x32xf32>,
    %get3A_550 = arith.constant 0 : index
    %get3A_551 = arith.constant 6832 : index
    %get3A_552 = vector.load %arg1[%get3A_550, %get3A_551] : memref<64x22400xf32, #tpu.memory_space<vmem>>, vector<64x112xf32>
    %swap3A_553 = arith.constant 0 : index
    %swap3A_554 = arith.constant 8784 : index
    %swap3A_555 = vector.load %arg3[%swap3A_553, %swap3A_554] : memref<64x28800xf32, #tpu.memory_space<vmem>>, vector<64x112xf32>
    tpu.vector_store %arg3[%swap3A_553, %swap3A_554], %get3A_552 {strides = array<i32>} : memref<64x28800xf32, #tpu.memory_space<vmem>>, vector<64x112xf32>,
    %swap3A_556 = arith.constant 0 : index
    %swap3A_557 = arith.constant 8896 : index
    %swap3A_558 = vector.load %arg3[%swap3A_556, %swap3A_557] : memref<64x28800xf32, #tpu.memory_space<vmem>>, vector<64x32xf32>
    tpu.vector_store %arg3[%swap3A_556, %swap3A_557], %get3A_1 {strides = array<i32>} : memref<64x28800xf32, #tpu.memory_space<vmem>>, vector<64x32xf32>,
    %get3A_559 = arith.constant 0 : index
    %get3A_560 = arith.constant 6944 : index
    %get3A_561 = vector.load %arg1[%get3A_559, %get3A_560] : memref<64x22400xf32, #tpu.memory_space<vmem>>, vector<64x112xf32>
    %swap3A_562 = arith.constant 0 : index
    %swap3A_563 = arith.constant 8928 : index
    %swap3A_564 = vector.load %arg3[%swap3A_562, %swap3A_563] : memref<64x28800xf32, #tpu.memory_space<vmem>>, vector<64x112xf32>
    tpu.vector_store %arg3[%swap3A_562, %swap3A_563], %get3A_561 {strides = array<i32>} : memref<64x28800xf32, #tpu.memory_space<vmem>>, vector<64x112xf32>,
    %swap3A_565 = arith.constant 0 : index
    %swap3A_566 = arith.constant 9040 : index
    %swap3A_567 = vector.load %arg3[%swap3A_565, %swap3A_566] : memref<64x28800xf32, #tpu.memory_space<vmem>>, vector<64x32xf32>
    tpu.vector_store %arg3[%swap3A_565, %swap3A_566], %get3A_1 {strides = array<i32>} : memref<64x28800xf32, #tpu.memory_space<vmem>>, vector<64x32xf32>,
    %get3A_568 = arith.constant 0 : index
    %get3A_569 = arith.constant 7056 : index
    %get3A_570 = vector.load %arg1[%get3A_568, %get3A_569] : memref<64x22400xf32, #tpu.memory_space<vmem>>, vector<64x112xf32>
    %swap3A_571 = arith.constant 0 : index
    %swap3A_572 = arith.constant 9072 : index
    %swap3A_573 = vector.load %arg3[%swap3A_571, %swap3A_572] : memref<64x28800xf32, #tpu.memory_space<vmem>>, vector<64x112xf32>
    tpu.vector_store %arg3[%swap3A_571, %swap3A_572], %get3A_570 {strides = array<i32>} : memref<64x28800xf32, #tpu.memory_space<vmem>>, vector<64x112xf32>,
    %swap3A_574 = arith.constant 0 : index
    %swap3A_575 = arith.constant 9184 : index
    %swap3A_576 = vector.load %arg3[%swap3A_574, %swap3A_575] : memref<64x28800xf32, #tpu.memory_space<vmem>>, vector<64x32xf32>
    tpu.vector_store %arg3[%swap3A_574, %swap3A_575], %get3A_1 {strides = array<i32>} : memref<64x28800xf32, #tpu.memory_space<vmem>>, vector<64x32xf32>,
    %get3A_577 = arith.constant 0 : index
    %get3A_578 = arith.constant 7168 : index
    %get3A_579 = vector.load %arg1[%get3A_577, %get3A_578] : memref<64x22400xf32, #tpu.memory_space<vmem>>, vector<64x112xf32>
    %swap3A_580 = arith.constant 0 : index
    %swap3A_581 = arith.constant 9216 : index
    %swap3A_582 = vector.load %arg3[%swap3A_580, %swap3A_581] : memref<64x28800xf32, #tpu.memory_space<vmem>>, vector<64x112xf32>
    tpu.vector_store %arg3[%swap3A_580, %swap3A_581], %get3A_579 {strides = array<i32>} : memref<64x28800xf32, #tpu.memory_space<vmem>>, vector<64x112xf32>,
    %swap3A_583 = arith.constant 0 : index
    %swap3A_584 = arith.constant 9328 : index
    %swap3A_585 = vector.load %arg3[%swap3A_583, %swap3A_584] : memref<64x28800xf32, #tpu.memory_space<vmem>>, vector<64x32xf32>
    tpu.vector_store %arg3[%swap3A_583, %swap3A_584], %get3A_1 {strides = array<i32>} : memref<64x28800xf32, #tpu.memory_space<vmem>>, vector<64x32xf32>,
    %get3A_586 = arith.constant 0 : index
    %get3A_587 = arith.constant 7280 : index
    %get3A_588 = vector.load %arg1[%get3A_586, %get3A_587] : memref<64x22400xf32, #tpu.memory_space<vmem>>, vector<64x112xf32>
    %swap3A_589 = arith.constant 0 : index
    %swap3A_590 = arith.constant 9360 : index
    %swap3A_591 = vector.load %arg3[%swap3A_589, %swap3A_590] : memref<64x28800xf32, #tpu.memory_space<vmem>>, vector<64x112xf32>
    tpu.vector_store %arg3[%swap3A_589, %swap3A_590], %get3A_588 {strides = array<i32>} : memref<64x28800xf32, #tpu.memory_space<vmem>>, vector<64x112xf32>,
    %swap3A_592 = arith.constant 0 : index
    %swap3A_593 = arith.constant 9472 : index
    %swap3A_594 = vector.load %arg3[%swap3A_592, %swap3A_593] : memref<64x28800xf32, #tpu.memory_space<vmem>>, vector<64x32xf32>
    tpu.vector_store %arg3[%swap3A_592, %swap3A_593], %get3A_1 {strides = array<i32>} : memref<64x28800xf32, #tpu.memory_space<vmem>>, vector<64x32xf32>,
    %get3A_595 = arith.constant 0 : index
    %get3A_596 = arith.constant 7392 : index
    %get3A_597 = vector.load %arg1[%get3A_595, %get3A_596] : memref<64x22400xf32, #tpu.memory_space<vmem>>, vector<64x112xf32>
    %swap3A_598 = arith.constant 0 : index
    %swap3A_599 = arith.constant 9504 : index
    %swap3A_600 = vector.load %arg3[%swap3A_598, %swap3A_599] : memref<64x28800xf32, #tpu.memory_space<vmem>>, vector<64x112xf32>
    tpu.vector_store %arg3[%swap3A_598, %swap3A_599], %get3A_597 {strides = array<i32>} : memref<64x28800xf32, #tpu.memory_space<vmem>>, vector<64x112xf32>,
    %swap3A_601 = arith.constant 0 : index
    %swap3A_602 = arith.constant 9616 : index
    %swap3A_603 = vector.load %arg3[%swap3A_601, %swap3A_602] : memref<64x28800xf32, #tpu.memory_space<vmem>>, vector<64x32xf32>
    tpu.vector_store %arg3[%swap3A_601, %swap3A_602], %get3A_1 {strides = array<i32>} : memref<64x28800xf32, #tpu.memory_space<vmem>>, vector<64x32xf32>,
    %get3A_604 = arith.constant 0 : index
    %get3A_605 = arith.constant 7504 : index
    %get3A_606 = vector.load %arg1[%get3A_604, %get3A_605] : memref<64x22400xf32, #tpu.memory_space<vmem>>, vector<64x112xf32>
    %swap3A_607 = arith.constant 0 : index
    %swap3A_608 = arith.constant 9648 : index
    %swap3A_609 = vector.load %arg3[%swap3A_607, %swap3A_608] : memref<64x28800xf32, #tpu.memory_space<vmem>>, vector<64x112xf32>
    tpu.vector_store %arg3[%swap3A_607, %swap3A_608], %get3A_606 {strides = array<i32>} : memref<64x28800xf32, #tpu.memory_space<vmem>>, vector<64x112xf32>,
    %swap3A_610 = arith.constant 0 : index
    %swap3A_611 = arith.constant 9760 : index
    %swap3A_612 = vector.load %arg3[%swap3A_610, %swap3A_611] : memref<64x28800xf32, #tpu.memory_space<vmem>>, vector<64x32xf32>
    tpu.vector_store %arg3[%swap3A_610, %swap3A_611], %get3A_1 {strides = array<i32>} : memref<64x28800xf32, #tpu.memory_space<vmem>>, vector<64x32xf32>,
    %get3A_613 = arith.constant 0 : index
    %get3A_614 = arith.constant 7616 : index
    %get3A_615 = vector.load %arg1[%get3A_613, %get3A_614] : memref<64x22400xf32, #tpu.memory_space<vmem>>, vector<64x112xf32>
    %swap3A_616 = arith.constant 0 : index
    %swap3A_617 = arith.constant 9792 : index
    %swap3A_618 = vector.load %arg3[%swap3A_616, %swap3A_617] : memref<64x28800xf32, #tpu.memory_space<vmem>>, vector<64x112xf32>
    tpu.vector_store %arg3[%swap3A_616, %swap3A_617], %get3A_615 {strides = array<i32>} : memref<64x28800xf32, #tpu.memory_space<vmem>>, vector<64x112xf32>,
    %swap3A_619 = arith.constant 0 : index
    %swap3A_620 = arith.constant 9904 : index
    %swap3A_621 = vector.load %arg3[%swap3A_619, %swap3A_620] : memref<64x28800xf32, #tpu.memory_space<vmem>>, vector<64x32xf32>
    tpu.vector_store %arg3[%swap3A_619, %swap3A_620], %get3A_1 {strides = array<i32>} : memref<64x28800xf32, #tpu.memory_space<vmem>>, vector<64x32xf32>,
    %get3A_622 = arith.constant 0 : index
    %get3A_623 = arith.constant 7728 : index
    %get3A_624 = vector.load %arg1[%get3A_622, %get3A_623] : memref<64x22400xf32, #tpu.memory_space<vmem>>, vector<64x112xf32>
    %swap3A_625 = arith.constant 0 : index
    %swap3A_626 = arith.constant 9936 : index
    %swap3A_627 = vector.load %arg3[%swap3A_625, %swap3A_626] : memref<64x28800xf32, #tpu.memory_space<vmem>>, vector<64x112xf32>
    tpu.vector_store %arg3[%swap3A_625, %swap3A_626], %get3A_624 {strides = array<i32>} : memref<64x28800xf32, #tpu.memory_space<vmem>>, vector<64x112xf32>,
    %swap3A_628 = arith.constant 0 : index
    %swap3A_629 = arith.constant 10048 : index
    %swap3A_630 = vector.load %arg3[%swap3A_628, %swap3A_629] : memref<64x28800xf32, #tpu.memory_space<vmem>>, vector<64x32xf32>
    tpu.vector_store %arg3[%swap3A_628, %swap3A_629], %get3A_1 {strides = array<i32>} : memref<64x28800xf32, #tpu.memory_space<vmem>>, vector<64x32xf32>,
    %get3A_631 = arith.constant 0 : index
    %get3A_632 = arith.constant 7840 : index
    %get3A_633 = vector.load %arg1[%get3A_631, %get3A_632] : memref<64x22400xf32, #tpu.memory_space<vmem>>, vector<64x112xf32>
    %swap3A_634 = arith.constant 0 : index
    %swap3A_635 = arith.constant 10080 : index
    %swap3A_636 = vector.load %arg3[%swap3A_634, %swap3A_635] : memref<64x28800xf32, #tpu.memory_space<vmem>>, vector<64x112xf32>
    tpu.vector_store %arg3[%swap3A_634, %swap3A_635], %get3A_633 {strides = array<i32>} : memref<64x28800xf32, #tpu.memory_space<vmem>>, vector<64x112xf32>,
    %swap3A_637 = arith.constant 0 : index
    %swap3A_638 = arith.constant 10192 : index
    %swap3A_639 = vector.load %arg3[%swap3A_637, %swap3A_638] : memref<64x28800xf32, #tpu.memory_space<vmem>>, vector<64x32xf32>
    tpu.vector_store %arg3[%swap3A_637, %swap3A_638], %get3A_1 {strides = array<i32>} : memref<64x28800xf32, #tpu.memory_space<vmem>>, vector<64x32xf32>,
    %get3A_640 = arith.constant 0 : index
    %get3A_641 = arith.constant 7952 : index
    %get3A_642 = vector.load %arg1[%get3A_640, %get3A_641] : memref<64x22400xf32, #tpu.memory_space<vmem>>, vector<64x112xf32>
    %swap3A_643 = arith.constant 0 : index
    %swap3A_644 = arith.constant 10224 : index
    %swap3A_645 = vector.load %arg3[%swap3A_643, %swap3A_644] : memref<64x28800xf32, #tpu.memory_space<vmem>>, vector<64x112xf32>
    tpu.vector_store %arg3[%swap3A_643, %swap3A_644], %get3A_642 {strides = array<i32>} : memref<64x28800xf32, #tpu.memory_space<vmem>>, vector<64x112xf32>,
    %swap3A_646 = arith.constant 0 : index
    %swap3A_647 = arith.constant 10336 : index
    %swap3A_648 = vector.load %arg3[%swap3A_646, %swap3A_647] : memref<64x28800xf32, #tpu.memory_space<vmem>>, vector<64x32xf32>
    tpu.vector_store %arg3[%swap3A_646, %swap3A_647], %get3A_1 {strides = array<i32>} : memref<64x28800xf32, #tpu.memory_space<vmem>>, vector<64x32xf32>,
    %get3A_649 = arith.constant 0 : index
    %get3A_650 = arith.constant 8064 : index
    %get3A_651 = vector.load %arg1[%get3A_649, %get3A_650] : memref<64x22400xf32, #tpu.memory_space<vmem>>, vector<64x112xf32>
    %swap3A_652 = arith.constant 0 : index
    %swap3A_653 = arith.constant 10368 : index
    %swap3A_654 = vector.load %arg3[%swap3A_652, %swap3A_653] : memref<64x28800xf32, #tpu.memory_space<vmem>>, vector<64x112xf32>
    tpu.vector_store %arg3[%swap3A_652, %swap3A_653], %get3A_651 {strides = array<i32>} : memref<64x28800xf32, #tpu.memory_space<vmem>>, vector<64x112xf32>,
    %swap3A_655 = arith.constant 0 : index
    %swap3A_656 = arith.constant 10480 : index
    %swap3A_657 = vector.load %arg3[%swap3A_655, %swap3A_656] : memref<64x28800xf32, #tpu.memory_space<vmem>>, vector<64x32xf32>
    tpu.vector_store %arg3[%swap3A_655, %swap3A_656], %get3A_1 {strides = array<i32>} : memref<64x28800xf32, #tpu.memory_space<vmem>>, vector<64x32xf32>,
    %get3A_658 = arith.constant 0 : index
    %get3A_659 = arith.constant 8176 : index
    %get3A_660 = vector.load %arg1[%get3A_658, %get3A_659] : memref<64x22400xf32, #tpu.memory_space<vmem>>, vector<64x112xf32>
    %swap3A_661 = arith.constant 0 : index
    %swap3A_662 = arith.constant 10512 : index
    %swap3A_663 = vector.load %arg3[%swap3A_661, %swap3A_662] : memref<64x28800xf32, #tpu.memory_space<vmem>>, vector<64x112xf32>
    tpu.vector_store %arg3[%swap3A_661, %swap3A_662], %get3A_660 {strides = array<i32>} : memref<64x28800xf32, #tpu.memory_space<vmem>>, vector<64x112xf32>,
    %swap3A_664 = arith.constant 0 : index
    %swap3A_665 = arith.constant 10624 : index
    %swap3A_666 = vector.load %arg3[%swap3A_664, %swap3A_665] : memref<64x28800xf32, #tpu.memory_space<vmem>>, vector<64x32xf32>
    tpu.vector_store %arg3[%swap3A_664, %swap3A_665], %get3A_1 {strides = array<i32>} : memref<64x28800xf32, #tpu.memory_space<vmem>>, vector<64x32xf32>,
    %get3A_667 = arith.constant 0 : index
    %get3A_668 = arith.constant 8288 : index
    %get3A_669 = vector.load %arg1[%get3A_667, %get3A_668] : memref<64x22400xf32, #tpu.memory_space<vmem>>, vector<64x112xf32>
    %swap3A_670 = arith.constant 0 : index
    %swap3A_671 = arith.constant 10656 : index
    %swap3A_672 = vector.load %arg3[%swap3A_670, %swap3A_671] : memref<64x28800xf32, #tpu.memory_space<vmem>>, vector<64x112xf32>
    tpu.vector_store %arg3[%swap3A_670, %swap3A_671], %get3A_669 {strides = array<i32>} : memref<64x28800xf32, #tpu.memory_space<vmem>>, vector<64x112xf32>,
    %swap3A_673 = arith.constant 0 : index
    %swap3A_674 = arith.constant 10768 : index
    %swap3A_675 = vector.load %arg3[%swap3A_673, %swap3A_674] : memref<64x28800xf32, #tpu.memory_space<vmem>>, vector<64x32xf32>
    tpu.vector_store %arg3[%swap3A_673, %swap3A_674], %get3A_1 {strides = array<i32>} : memref<64x28800xf32, #tpu.memory_space<vmem>>, vector<64x32xf32>,
    %get3A_676 = arith.constant 0 : index
    %get3A_677 = arith.constant 8400 : index
    %get3A_678 = vector.load %arg1[%get3A_676, %get3A_677] : memref<64x22400xf32, #tpu.memory_space<vmem>>, vector<64x112xf32>
    %swap3A_679 = arith.constant 0 : index
    %swap3A_680 = arith.constant 10800 : index
    %swap3A_681 = vector.load %arg3[%swap3A_679, %swap3A_680] : memref<64x28800xf32, #tpu.memory_space<vmem>>, vector<64x112xf32>
    tpu.vector_store %arg3[%swap3A_679, %swap3A_680], %get3A_678 {strides = array<i32>} : memref<64x28800xf32, #tpu.memory_space<vmem>>, vector<64x112xf32>,
    %swap3A_682 = arith.constant 0 : index
    %swap3A_683 = arith.constant 10912 : index
    %swap3A_684 = vector.load %arg3[%swap3A_682, %swap3A_683] : memref<64x28800xf32, #tpu.memory_space<vmem>>, vector<64x32xf32>
    tpu.vector_store %arg3[%swap3A_682, %swap3A_683], %get3A_1 {strides = array<i32>} : memref<64x28800xf32, #tpu.memory_space<vmem>>, vector<64x32xf32>,
    %get3A_685 = arith.constant 0 : index
    %get3A_686 = arith.constant 8512 : index
    %get3A_687 = vector.load %arg1[%get3A_685, %get3A_686] : memref<64x22400xf32, #tpu.memory_space<vmem>>, vector<64x112xf32>
    %swap3A_688 = arith.constant 0 : index
    %swap3A_689 = arith.constant 10944 : index
    %swap3A_690 = vector.load %arg3[%swap3A_688, %swap3A_689] : memref<64x28800xf32, #tpu.memory_space<vmem>>, vector<64x112xf32>
    tpu.vector_store %arg3[%swap3A_688, %swap3A_689], %get3A_687 {strides = array<i32>} : memref<64x28800xf32, #tpu.memory_space<vmem>>, vector<64x112xf32>,
    %swap3A_691 = arith.constant 0 : index
    %swap3A_692 = arith.constant 11056 : index
    %swap3A_693 = vector.load %arg3[%swap3A_691, %swap3A_692] : memref<64x28800xf32, #tpu.memory_space<vmem>>, vector<64x32xf32>
    tpu.vector_store %arg3[%swap3A_691, %swap3A_692], %get3A_1 {strides = array<i32>} : memref<64x28800xf32, #tpu.memory_space<vmem>>, vector<64x32xf32>,
    %get3A_694 = arith.constant 0 : index
    %get3A_695 = arith.constant 8624 : index
    %get3A_696 = vector.load %arg1[%get3A_694, %get3A_695] : memref<64x22400xf32, #tpu.memory_space<vmem>>, vector<64x112xf32>
    %swap3A_697 = arith.constant 0 : index
    %swap3A_698 = arith.constant 11088 : index
    %swap3A_699 = vector.load %arg3[%swap3A_697, %swap3A_698] : memref<64x28800xf32, #tpu.memory_space<vmem>>, vector<64x112xf32>
    tpu.vector_store %arg3[%swap3A_697, %swap3A_698], %get3A_696 {strides = array<i32>} : memref<64x28800xf32, #tpu.memory_space<vmem>>, vector<64x112xf32>,
    %swap3A_700 = arith.constant 0 : index
    %swap3A_701 = arith.constant 11200 : index
    %swap3A_702 = vector.load %arg3[%swap3A_700, %swap3A_701] : memref<64x28800xf32, #tpu.memory_space<vmem>>, vector<64x32xf32>
    tpu.vector_store %arg3[%swap3A_700, %swap3A_701], %get3A_1 {strides = array<i32>} : memref<64x28800xf32, #tpu.memory_space<vmem>>, vector<64x32xf32>,
    %get3A_703 = arith.constant 0 : index
    %get3A_704 = arith.constant 8736 : index
    %get3A_705 = vector.load %arg1[%get3A_703, %get3A_704] : memref<64x22400xf32, #tpu.memory_space<vmem>>, vector<64x112xf32>
    %swap3A_706 = arith.constant 0 : index
    %swap3A_707 = arith.constant 11232 : index
    %swap3A_708 = vector.load %arg3[%swap3A_706, %swap3A_707] : memref<64x28800xf32, #tpu.memory_space<vmem>>, vector<64x112xf32>
    tpu.vector_store %arg3[%swap3A_706, %swap3A_707], %get3A_705 {strides = array<i32>} : memref<64x28800xf32, #tpu.memory_space<vmem>>, vector<64x112xf32>,
    %swap3A_709 = arith.constant 0 : index
    %swap3A_710 = arith.constant 11344 : index
    %swap3A_711 = vector.load %arg3[%swap3A_709, %swap3A_710] : memref<64x28800xf32, #tpu.memory_space<vmem>>, vector<64x32xf32>
    tpu.vector_store %arg3[%swap3A_709, %swap3A_710], %get3A_1 {strides = array<i32>} : memref<64x28800xf32, #tpu.memory_space<vmem>>, vector<64x32xf32>,
    %get3A_712 = arith.constant 0 : index
    %get3A_713 = arith.constant 8848 : index
    %get3A_714 = vector.load %arg1[%get3A_712, %get3A_713] : memref<64x22400xf32, #tpu.memory_space<vmem>>, vector<64x112xf32>
    %swap3A_715 = arith.constant 0 : index
    %swap3A_716 = arith.constant 11376 : index
    %swap3A_717 = vector.load %arg3[%swap3A_715, %swap3A_716] : memref<64x28800xf32, #tpu.memory_space<vmem>>, vector<64x112xf32>
    tpu.vector_store %arg3[%swap3A_715, %swap3A_716], %get3A_714 {strides = array<i32>} : memref<64x28800xf32, #tpu.memory_space<vmem>>, vector<64x112xf32>,
    %swap3A_718 = arith.constant 0 : index
    %swap3A_719 = arith.constant 11488 : index
    %swap3A_720 = vector.load %arg3[%swap3A_718, %swap3A_719] : memref<64x28800xf32, #tpu.memory_space<vmem>>, vector<64x32xf32>
    tpu.vector_store %arg3[%swap3A_718, %swap3A_719], %get3A_1 {strides = array<i32>} : memref<64x28800xf32, #tpu.memory_space<vmem>>, vector<64x32xf32>,
    %get3A_721 = arith.constant 0 : index
    %get3A_722 = arith.constant 8960 : index
    %get3A_723 = vector.load %arg1[%get3A_721, %get3A_722] : memref<64x22400xf32, #tpu.memory_space<vmem>>, vector<64x112xf32>
    %swap3A_724 = arith.constant 0 : index
    %swap3A_725 = arith.constant 11520 : index
    %swap3A_726 = vector.load %arg3[%swap3A_724, %swap3A_725] : memref<64x28800xf32, #tpu.memory_space<vmem>>, vector<64x112xf32>
    tpu.vector_store %arg3[%swap3A_724, %swap3A_725], %get3A_723 {strides = array<i32>} : memref<64x28800xf32, #tpu.memory_space<vmem>>, vector<64x112xf32>,
    %swap3A_727 = arith.constant 0 : index
    %swap3A_728 = arith.constant 11632 : index
    %swap3A_729 = vector.load %arg3[%swap3A_727, %swap3A_728] : memref<64x28800xf32, #tpu.memory_space<vmem>>, vector<64x32xf32>
    tpu.vector_store %arg3[%swap3A_727, %swap3A_728], %get3A_1 {strides = array<i32>} : memref<64x28800xf32, #tpu.memory_space<vmem>>, vector<64x32xf32>,
    %get3A_730 = arith.constant 0 : index
    %get3A_731 = arith.constant 9072 : index
    %get3A_732 = vector.load %arg1[%get3A_730, %get3A_731] : memref<64x22400xf32, #tpu.memory_space<vmem>>, vector<64x112xf32>
    %swap3A_733 = arith.constant 0 : index
    %swap3A_734 = arith.constant 11664 : index
    %swap3A_735 = vector.load %arg3[%swap3A_733, %swap3A_734] : memref<64x28800xf32, #tpu.memory_space<vmem>>, vector<64x112xf32>
    tpu.vector_store %arg3[%swap3A_733, %swap3A_734], %get3A_732 {strides = array<i32>} : memref<64x28800xf32, #tpu.memory_space<vmem>>, vector<64x112xf32>,
    %swap3A_736 = arith.constant 0 : index
    %swap3A_737 = arith.constant 11776 : index
    %swap3A_738 = vector.load %arg3[%swap3A_736, %swap3A_737] : memref<64x28800xf32, #tpu.memory_space<vmem>>, vector<64x32xf32>
    tpu.vector_store %arg3[%swap3A_736, %swap3A_737], %get3A_1 {strides = array<i32>} : memref<64x28800xf32, #tpu.memory_space<vmem>>, vector<64x32xf32>,
    %get3A_739 = arith.constant 0 : index
    %get3A_740 = arith.constant 9184 : index
    %get3A_741 = vector.load %arg1[%get3A_739, %get3A_740] : memref<64x22400xf32, #tpu.memory_space<vmem>>, vector<64x112xf32>
    %swap3A_742 = arith.constant 0 : index
    %swap3A_743 = arith.constant 11808 : index
    %swap3A_744 = vector.load %arg3[%swap3A_742, %swap3A_743] : memref<64x28800xf32, #tpu.memory_space<vmem>>, vector<64x112xf32>
    tpu.vector_store %arg3[%swap3A_742, %swap3A_743], %get3A_741 {strides = array<i32>} : memref<64x28800xf32, #tpu.memory_space<vmem>>, vector<64x112xf32>,
    %swap3A_745 = arith.constant 0 : index
    %swap3A_746 = arith.constant 11920 : index
    %swap3A_747 = vector.load %arg3[%swap3A_745, %swap3A_746] : memref<64x28800xf32, #tpu.memory_space<vmem>>, vector<64x32xf32>
    tpu.vector_store %arg3[%swap3A_745, %swap3A_746], %get3A_1 {strides = array<i32>} : memref<64x28800xf32, #tpu.memory_space<vmem>>, vector<64x32xf32>,
    %get3A_748 = arith.constant 0 : index
    %get3A_749 = arith.constant 9296 : index
    %get3A_750 = vector.load %arg1[%get3A_748, %get3A_749] : memref<64x22400xf32, #tpu.memory_space<vmem>>, vector<64x112xf32>
    %swap3A_751 = arith.constant 0 : index
    %swap3A_752 = arith.constant 11952 : index
    %swap3A_753 = vector.load %arg3[%swap3A_751, %swap3A_752] : memref<64x28800xf32, #tpu.memory_space<vmem>>, vector<64x112xf32>
    tpu.vector_store %arg3[%swap3A_751, %swap3A_752], %get3A_750 {strides = array<i32>} : memref<64x28800xf32, #tpu.memory_space<vmem>>, vector<64x112xf32>,
    %swap3A_754 = arith.constant 0 : index
    %swap3A_755 = arith.constant 12064 : index
    %swap3A_756 = vector.load %arg3[%swap3A_754, %swap3A_755] : memref<64x28800xf32, #tpu.memory_space<vmem>>, vector<64x32xf32>
    tpu.vector_store %arg3[%swap3A_754, %swap3A_755], %get3A_1 {strides = array<i32>} : memref<64x28800xf32, #tpu.memory_space<vmem>>, vector<64x32xf32>,
    %get3A_757 = arith.constant 0 : index
    %get3A_758 = arith.constant 9408 : index
    %get3A_759 = vector.load %arg1[%get3A_757, %get3A_758] : memref<64x22400xf32, #tpu.memory_space<vmem>>, vector<64x112xf32>
    %swap3A_760 = arith.constant 0 : index
    %swap3A_761 = arith.constant 12096 : index
    %swap3A_762 = vector.load %arg3[%swap3A_760, %swap3A_761] : memref<64x28800xf32, #tpu.memory_space<vmem>>, vector<64x112xf32>
    tpu.vector_store %arg3[%swap3A_760, %swap3A_761], %get3A_759 {strides = array<i32>} : memref<64x28800xf32, #tpu.memory_space<vmem>>, vector<64x112xf32>,
    %swap3A_763 = arith.constant 0 : index
    %swap3A_764 = arith.constant 12208 : index
    %swap3A_765 = vector.load %arg3[%swap3A_763, %swap3A_764] : memref<64x28800xf32, #tpu.memory_space<vmem>>, vector<64x32xf32>
    tpu.vector_store %arg3[%swap3A_763, %swap3A_764], %get3A_1 {strides = array<i32>} : memref<64x28800xf32, #tpu.memory_space<vmem>>, vector<64x32xf32>,
    %get3A_766 = arith.constant 0 : index
    %get3A_767 = arith.constant 9520 : index
    %get3A_768 = vector.load %arg1[%get3A_766, %get3A_767] : memref<64x22400xf32, #tpu.memory_space<vmem>>, vector<64x112xf32>
    %swap3A_769 = arith.constant 0 : index
    %swap3A_770 = arith.constant 12240 : index
    %swap3A_771 = vector.load %arg3[%swap3A_769, %swap3A_770] : memref<64x28800xf32, #tpu.memory_space<vmem>>, vector<64x112xf32>
    tpu.vector_store %arg3[%swap3A_769, %swap3A_770], %get3A_768 {strides = array<i32>} : memref<64x28800xf32, #tpu.memory_space<vmem>>, vector<64x112xf32>,
    %swap3A_772 = arith.constant 0 : index
    %swap3A_773 = arith.constant 12352 : index
    %swap3A_774 = vector.load %arg3[%swap3A_772, %swap3A_773] : memref<64x28800xf32, #tpu.memory_space<vmem>>, vector<64x32xf32>
    tpu.vector_store %arg3[%swap3A_772, %swap3A_773], %get3A_1 {strides = array<i32>} : memref<64x28800xf32, #tpu.memory_space<vmem>>, vector<64x32xf32>,
    %get3A_775 = arith.constant 0 : index
    %get3A_776 = arith.constant 9632 : index
    %get3A_777 = vector.load %arg1[%get3A_775, %get3A_776] : memref<64x22400xf32, #tpu.memory_space<vmem>>, vector<64x112xf32>
    %swap3A_778 = arith.constant 0 : index
    %swap3A_779 = arith.constant 12384 : index
    %swap3A_780 = vector.load %arg3[%swap3A_778, %swap3A_779] : memref<64x28800xf32, #tpu.memory_space<vmem>>, vector<64x112xf32>
    tpu.vector_store %arg3[%swap3A_778, %swap3A_779], %get3A_777 {strides = array<i32>} : memref<64x28800xf32, #tpu.memory_space<vmem>>, vector<64x112xf32>,
    %swap3A_781 = arith.constant 0 : index
    %swap3A_782 = arith.constant 12496 : index
    %swap3A_783 = vector.load %arg3[%swap3A_781, %swap3A_782] : memref<64x28800xf32, #tpu.memory_space<vmem>>, vector<64x32xf32>
    tpu.vector_store %arg3[%swap3A_781, %swap3A_782], %get3A_1 {strides = array<i32>} : memref<64x28800xf32, #tpu.memory_space<vmem>>, vector<64x32xf32>,
    %get3A_784 = arith.constant 0 : index
    %get3A_785 = arith.constant 9744 : index
    %get3A_786 = vector.load %arg1[%get3A_784, %get3A_785] : memref<64x22400xf32, #tpu.memory_space<vmem>>, vector<64x112xf32>
    %swap3A_787 = arith.constant 0 : index
    %swap3A_788 = arith.constant 12528 : index
    %swap3A_789 = vector.load %arg3[%swap3A_787, %swap3A_788] : memref<64x28800xf32, #tpu.memory_space<vmem>>, vector<64x112xf32>
    tpu.vector_store %arg3[%swap3A_787, %swap3A_788], %get3A_786 {strides = array<i32>} : memref<64x28800xf32, #tpu.memory_space<vmem>>, vector<64x112xf32>,
    %swap3A_790 = arith.constant 0 : index
    %swap3A_791 = arith.constant 12640 : index
    %swap3A_792 = vector.load %arg3[%swap3A_790, %swap3A_791] : memref<64x28800xf32, #tpu.memory_space<vmem>>, vector<64x32xf32>
    tpu.vector_store %arg3[%swap3A_790, %swap3A_791], %get3A_1 {strides = array<i32>} : memref<64x28800xf32, #tpu.memory_space<vmem>>, vector<64x32xf32>,
    %get3A_793 = arith.constant 0 : index
    %get3A_794 = arith.constant 9856 : index
    %get3A_795 = vector.load %arg1[%get3A_793, %get3A_794] : memref<64x22400xf32, #tpu.memory_space<vmem>>, vector<64x112xf32>
    %swap3A_796 = arith.constant 0 : index
    %swap3A_797 = arith.constant 12672 : index
    %swap3A_798 = vector.load %arg3[%swap3A_796, %swap3A_797] : memref<64x28800xf32, #tpu.memory_space<vmem>>, vector<64x112xf32>
    tpu.vector_store %arg3[%swap3A_796, %swap3A_797], %get3A_795 {strides = array<i32>} : memref<64x28800xf32, #tpu.memory_space<vmem>>, vector<64x112xf32>,
    %swap3A_799 = arith.constant 0 : index
    %swap3A_800 = arith.constant 12784 : index
    %swap3A_801 = vector.load %arg3[%swap3A_799, %swap3A_800] : memref<64x28800xf32, #tpu.memory_space<vmem>>, vector<64x32xf32>
    tpu.vector_store %arg3[%swap3A_799, %swap3A_800], %get3A_1 {strides = array<i32>} : memref<64x28800xf32, #tpu.memory_space<vmem>>, vector<64x32xf32>,
    %get3A_802 = arith.constant 0 : index
    %get3A_803 = arith.constant 9968 : index
    %get3A_804 = vector.load %arg1[%get3A_802, %get3A_803] : memref<64x22400xf32, #tpu.memory_space<vmem>>, vector<64x112xf32>
    %swap3A_805 = arith.constant 0 : index
    %swap3A_806 = arith.constant 12816 : index
    %swap3A_807 = vector.load %arg3[%swap3A_805, %swap3A_806] : memref<64x28800xf32, #tpu.memory_space<vmem>>, vector<64x112xf32>
    tpu.vector_store %arg3[%swap3A_805, %swap3A_806], %get3A_804 {strides = array<i32>} : memref<64x28800xf32, #tpu.memory_space<vmem>>, vector<64x112xf32>,
    %swap3A_808 = arith.constant 0 : index
    %swap3A_809 = arith.constant 12928 : index
    %swap3A_810 = vector.load %arg3[%swap3A_808, %swap3A_809] : memref<64x28800xf32, #tpu.memory_space<vmem>>, vector<64x32xf32>
    tpu.vector_store %arg3[%swap3A_808, %swap3A_809], %get3A_1 {strides = array<i32>} : memref<64x28800xf32, #tpu.memory_space<vmem>>, vector<64x32xf32>,
    %get3A_811 = arith.constant 0 : index
    %get3A_812 = arith.constant 10080 : index
    %get3A_813 = vector.load %arg1[%get3A_811, %get3A_812] : memref<64x22400xf32, #tpu.memory_space<vmem>>, vector<64x112xf32>
    %swap3A_814 = arith.constant 0 : index
    %swap3A_815 = arith.constant 12960 : index
    %swap3A_816 = vector.load %arg3[%swap3A_814, %swap3A_815] : memref<64x28800xf32, #tpu.memory_space<vmem>>, vector<64x112xf32>
    tpu.vector_store %arg3[%swap3A_814, %swap3A_815], %get3A_813 {strides = array<i32>} : memref<64x28800xf32, #tpu.memory_space<vmem>>, vector<64x112xf32>,
    %swap3A_817 = arith.constant 0 : index
    %swap3A_818 = arith.constant 13072 : index
    %swap3A_819 = vector.load %arg3[%swap3A_817, %swap3A_818] : memref<64x28800xf32, #tpu.memory_space<vmem>>, vector<64x32xf32>
    tpu.vector_store %arg3[%swap3A_817, %swap3A_818], %get3A_1 {strides = array<i32>} : memref<64x28800xf32, #tpu.memory_space<vmem>>, vector<64x32xf32>,
    %get3A_820 = arith.constant 0 : index
    %get3A_821 = arith.constant 10192 : index
    %get3A_822 = vector.load %arg1[%get3A_820, %get3A_821] : memref<64x22400xf32, #tpu.memory_space<vmem>>, vector<64x112xf32>
    %swap3A_823 = arith.constant 0 : index
    %swap3A_824 = arith.constant 13104 : index
    %swap3A_825 = vector.load %arg3[%swap3A_823, %swap3A_824] : memref<64x28800xf32, #tpu.memory_space<vmem>>, vector<64x112xf32>
    tpu.vector_store %arg3[%swap3A_823, %swap3A_824], %get3A_822 {strides = array<i32>} : memref<64x28800xf32, #tpu.memory_space<vmem>>, vector<64x112xf32>,
    %swap3A_826 = arith.constant 0 : index
    %swap3A_827 = arith.constant 13216 : index
    %swap3A_828 = vector.load %arg3[%swap3A_826, %swap3A_827] : memref<64x28800xf32, #tpu.memory_space<vmem>>, vector<64x32xf32>
    tpu.vector_store %arg3[%swap3A_826, %swap3A_827], %get3A_1 {strides = array<i32>} : memref<64x28800xf32, #tpu.memory_space<vmem>>, vector<64x32xf32>,
    %get3A_829 = arith.constant 0 : index
    %get3A_830 = arith.constant 10304 : index
    %get3A_831 = vector.load %arg1[%get3A_829, %get3A_830] : memref<64x22400xf32, #tpu.memory_space<vmem>>, vector<64x112xf32>
    %swap3A_832 = arith.constant 0 : index
    %swap3A_833 = arith.constant 13248 : index
    %swap3A_834 = vector.load %arg3[%swap3A_832, %swap3A_833] : memref<64x28800xf32, #tpu.memory_space<vmem>>, vector<64x112xf32>
    tpu.vector_store %arg3[%swap3A_832, %swap3A_833], %get3A_831 {strides = array<i32>} : memref<64x28800xf32, #tpu.memory_space<vmem>>, vector<64x112xf32>,
    %swap3A_835 = arith.constant 0 : index
    %swap3A_836 = arith.constant 13360 : index
    %swap3A_837 = vector.load %arg3[%swap3A_835, %swap3A_836] : memref<64x28800xf32, #tpu.memory_space<vmem>>, vector<64x32xf32>
    tpu.vector_store %arg3[%swap3A_835, %swap3A_836], %get3A_1 {strides = array<i32>} : memref<64x28800xf32, #tpu.memory_space<vmem>>, vector<64x32xf32>,
    %get3A_838 = arith.constant 0 : index
    %get3A_839 = arith.constant 10416 : index
    %get3A_840 = vector.load %arg1[%get3A_838, %get3A_839] : memref<64x22400xf32, #tpu.memory_space<vmem>>, vector<64x112xf32>
    %swap3A_841 = arith.constant 0 : index
    %swap3A_842 = arith.constant 13392 : index
    %swap3A_843 = vector.load %arg3[%swap3A_841, %swap3A_842] : memref<64x28800xf32, #tpu.memory_space<vmem>>, vector<64x112xf32>
    tpu.vector_store %arg3[%swap3A_841, %swap3A_842], %get3A_840 {strides = array<i32>} : memref<64x28800xf32, #tpu.memory_space<vmem>>, vector<64x112xf32>,
    %swap3A_844 = arith.constant 0 : index
    %swap3A_845 = arith.constant 13504 : index
    %swap3A_846 = vector.load %arg3[%swap3A_844, %swap3A_845] : memref<64x28800xf32, #tpu.memory_space<vmem>>, vector<64x32xf32>
    tpu.vector_store %arg3[%swap3A_844, %swap3A_845], %get3A_1 {strides = array<i32>} : memref<64x28800xf32, #tpu.memory_space<vmem>>, vector<64x32xf32>,
    %get3A_847 = arith.constant 0 : index
    %get3A_848 = arith.constant 10528 : index
    %get3A_849 = vector.load %arg1[%get3A_847, %get3A_848] : memref<64x22400xf32, #tpu.memory_space<vmem>>, vector<64x112xf32>
    %swap3A_850 = arith.constant 0 : index
    %swap3A_851 = arith.constant 13536 : index
    %swap3A_852 = vector.load %arg3[%swap3A_850, %swap3A_851] : memref<64x28800xf32, #tpu.memory_space<vmem>>, vector<64x112xf32>
    tpu.vector_store %arg3[%swap3A_850, %swap3A_851], %get3A_849 {strides = array<i32>} : memref<64x28800xf32, #tpu.memory_space<vmem>>, vector<64x112xf32>,
    %swap3A_853 = arith.constant 0 : index
    %swap3A_854 = arith.constant 13648 : index
    %swap3A_855 = vector.load %arg3[%swap3A_853, %swap3A_854] : memref<64x28800xf32, #tpu.memory_space<vmem>>, vector<64x32xf32>
    tpu.vector_store %arg3[%swap3A_853, %swap3A_854], %get3A_1 {strides = array<i32>} : memref<64x28800xf32, #tpu.memory_space<vmem>>, vector<64x32xf32>,
    %get3A_856 = arith.constant 0 : index
    %get3A_857 = arith.constant 10640 : index
    %get3A_858 = vector.load %arg1[%get3A_856, %get3A_857] : memref<64x22400xf32, #tpu.memory_space<vmem>>, vector<64x112xf32>
    %swap3A_859 = arith.constant 0 : index
    %swap3A_860 = arith.constant 13680 : index
    %swap3A_861 = vector.load %arg3[%swap3A_859, %swap3A_860] : memref<64x28800xf32, #tpu.memory_space<vmem>>, vector<64x112xf32>
    tpu.vector_store %arg3[%swap3A_859, %swap3A_860], %get3A_858 {strides = array<i32>} : memref<64x28800xf32, #tpu.memory_space<vmem>>, vector<64x112xf32>,
    %swap3A_862 = arith.constant 0 : index
    %swap3A_863 = arith.constant 13792 : index
    %swap3A_864 = vector.load %arg3[%swap3A_862, %swap3A_863] : memref<64x28800xf32, #tpu.memory_space<vmem>>, vector<64x32xf32>
    tpu.vector_store %arg3[%swap3A_862, %swap3A_863], %get3A_1 {strides = array<i32>} : memref<64x28800xf32, #tpu.memory_space<vmem>>, vector<64x32xf32>,
    %get3A_865 = arith.constant 0 : index
    %get3A_866 = arith.constant 10752 : index
    %get3A_867 = vector.load %arg1[%get3A_865, %get3A_866] : memref<64x22400xf32, #tpu.memory_space<vmem>>, vector<64x112xf32>
    %swap3A_868 = arith.constant 0 : index
    %swap3A_869 = arith.constant 13824 : index
    %swap3A_870 = vector.load %arg3[%swap3A_868, %swap3A_869] : memref<64x28800xf32, #tpu.memory_space<vmem>>, vector<64x112xf32>
    tpu.vector_store %arg3[%swap3A_868, %swap3A_869], %get3A_867 {strides = array<i32>} : memref<64x28800xf32, #tpu.memory_space<vmem>>, vector<64x112xf32>,
    %swap3A_871 = arith.constant 0 : index
    %swap3A_872 = arith.constant 13936 : index
    %swap3A_873 = vector.load %arg3[%swap3A_871, %swap3A_872] : memref<64x28800xf32, #tpu.memory_space<vmem>>, vector<64x32xf32>
    tpu.vector_store %arg3[%swap3A_871, %swap3A_872], %get3A_1 {strides = array<i32>} : memref<64x28800xf32, #tpu.memory_space<vmem>>, vector<64x32xf32>,
    %get3A_874 = arith.constant 0 : index
    %get3A_875 = arith.constant 10864 : index
    %get3A_876 = vector.load %arg1[%get3A_874, %get3A_875] : memref<64x22400xf32, #tpu.memory_space<vmem>>, vector<64x112xf32>
    %swap3A_877 = arith.constant 0 : index
    %swap3A_878 = arith.constant 13968 : index
    %swap3A_879 = vector.load %arg3[%swap3A_877, %swap3A_878] : memref<64x28800xf32, #tpu.memory_space<vmem>>, vector<64x112xf32>
    tpu.vector_store %arg3[%swap3A_877, %swap3A_878], %get3A_876 {strides = array<i32>} : memref<64x28800xf32, #tpu.memory_space<vmem>>, vector<64x112xf32>,
    %swap3A_880 = arith.constant 0 : index
    %swap3A_881 = arith.constant 14080 : index
    %swap3A_882 = vector.load %arg3[%swap3A_880, %swap3A_881] : memref<64x28800xf32, #tpu.memory_space<vmem>>, vector<64x32xf32>
    tpu.vector_store %arg3[%swap3A_880, %swap3A_881], %get3A_1 {strides = array<i32>} : memref<64x28800xf32, #tpu.memory_space<vmem>>, vector<64x32xf32>,
    %get3A_883 = arith.constant 0 : index
    %get3A_884 = arith.constant 10976 : index
    %get3A_885 = vector.load %arg1[%get3A_883, %get3A_884] : memref<64x22400xf32, #tpu.memory_space<vmem>>, vector<64x112xf32>
    %swap3A_886 = arith.constant 0 : index
    %swap3A_887 = arith.constant 14112 : index
    %swap3A_888 = vector.load %arg3[%swap3A_886, %swap3A_887] : memref<64x28800xf32, #tpu.memory_space<vmem>>, vector<64x112xf32>
    tpu.vector_store %arg3[%swap3A_886, %swap3A_887], %get3A_885 {strides = array<i32>} : memref<64x28800xf32, #tpu.memory_space<vmem>>, vector<64x112xf32>,
    %swap3A_889 = arith.constant 0 : index
    %swap3A_890 = arith.constant 14224 : index
    %swap3A_891 = vector.load %arg3[%swap3A_889, %swap3A_890] : memref<64x28800xf32, #tpu.memory_space<vmem>>, vector<64x32xf32>
    tpu.vector_store %arg3[%swap3A_889, %swap3A_890], %get3A_1 {strides = array<i32>} : memref<64x28800xf32, #tpu.memory_space<vmem>>, vector<64x32xf32>,
    %get3A_892 = arith.constant 0 : index
    %get3A_893 = arith.constant 11088 : index
    %get3A_894 = vector.load %arg1[%get3A_892, %get3A_893] : memref<64x22400xf32, #tpu.memory_space<vmem>>, vector<64x112xf32>
    %swap3A_895 = arith.constant 0 : index
    %swap3A_896 = arith.constant 14256 : index
    %swap3A_897 = vector.load %arg3[%swap3A_895, %swap3A_896] : memref<64x28800xf32, #tpu.memory_space<vmem>>, vector<64x112xf32>
    tpu.vector_store %arg3[%swap3A_895, %swap3A_896], %get3A_894 {strides = array<i32>} : memref<64x28800xf32, #tpu.memory_space<vmem>>, vector<64x112xf32>,
    %swap3A_898 = arith.constant 0 : index
    %swap3A_899 = arith.constant 14368 : index
    %swap3A_900 = vector.load %arg3[%swap3A_898, %swap3A_899] : memref<64x28800xf32, #tpu.memory_space<vmem>>, vector<64x32xf32>
    tpu.vector_store %arg3[%swap3A_898, %swap3A_899], %get3A_1 {strides = array<i32>} : memref<64x28800xf32, #tpu.memory_space<vmem>>, vector<64x32xf32>,
    %get3A_901 = arith.constant 0 : index
    %get3A_902 = arith.constant 11200 : index
    %get3A_903 = vector.load %arg1[%get3A_901, %get3A_902] : memref<64x22400xf32, #tpu.memory_space<vmem>>, vector<64x112xf32>
    %swap3A_904 = arith.constant 0 : index
    %swap3A_905 = arith.constant 14400 : index
    %swap3A_906 = vector.load %arg3[%swap3A_904, %swap3A_905] : memref<64x28800xf32, #tpu.memory_space<vmem>>, vector<64x112xf32>
    tpu.vector_store %arg3[%swap3A_904, %swap3A_905], %get3A_903 {strides = array<i32>} : memref<64x28800xf32, #tpu.memory_space<vmem>>, vector<64x112xf32>,
    %swap3A_907 = arith.constant 0 : index
    %swap3A_908 = arith.constant 14512 : index
    %swap3A_909 = vector.load %arg3[%swap3A_907, %swap3A_908] : memref<64x28800xf32, #tpu.memory_space<vmem>>, vector<64x32xf32>
    tpu.vector_store %arg3[%swap3A_907, %swap3A_908], %get3A_1 {strides = array<i32>} : memref<64x28800xf32, #tpu.memory_space<vmem>>, vector<64x32xf32>,
    %get3A_910 = arith.constant 0 : index
    %get3A_911 = arith.constant 11312 : index
    %get3A_912 = vector.load %arg1[%get3A_910, %get3A_911] : memref<64x22400xf32, #tpu.memory_space<vmem>>, vector<64x112xf32>
    %swap3A_913 = arith.constant 0 : index
    %swap3A_914 = arith.constant 14544 : index
    %swap3A_915 = vector.load %arg3[%swap3A_913, %swap3A_914] : memref<64x28800xf32, #tpu.memory_space<vmem>>, vector<64x112xf32>
    tpu.vector_store %arg3[%swap3A_913, %swap3A_914], %get3A_912 {strides = array<i32>} : memref<64x28800xf32, #tpu.memory_space<vmem>>, vector<64x112xf32>,
    %swap3A_916 = arith.constant 0 : index
    %swap3A_917 = arith.constant 14656 : index
    %swap3A_918 = vector.load %arg3[%swap3A_916, %swap3A_917] : memref<64x28800xf32, #tpu.memory_space<vmem>>, vector<64x32xf32>
    tpu.vector_store %arg3[%swap3A_916, %swap3A_917], %get3A_1 {strides = array<i32>} : memref<64x28800xf32, #tpu.memory_space<vmem>>, vector<64x32xf32>,
    %get3A_919 = arith.constant 0 : index
    %get3A_920 = arith.constant 11424 : index
    %get3A_921 = vector.load %arg1[%get3A_919, %get3A_920] : memref<64x22400xf32, #tpu.memory_space<vmem>>, vector<64x112xf32>
    %swap3A_922 = arith.constant 0 : index
    %swap3A_923 = arith.constant 14688 : index
    %swap3A_924 = vector.load %arg3[%swap3A_922, %swap3A_923] : memref<64x28800xf32, #tpu.memory_space<vmem>>, vector<64x112xf32>
    tpu.vector_store %arg3[%swap3A_922, %swap3A_923], %get3A_921 {strides = array<i32>} : memref<64x28800xf32, #tpu.memory_space<vmem>>, vector<64x112xf32>,
    %swap3A_925 = arith.constant 0 : index
    %swap3A_926 = arith.constant 14800 : index
    %swap3A_927 = vector.load %arg3[%swap3A_925, %swap3A_926] : memref<64x28800xf32, #tpu.memory_space<vmem>>, vector<64x32xf32>
    tpu.vector_store %arg3[%swap3A_925, %swap3A_926], %get3A_1 {strides = array<i32>} : memref<64x28800xf32, #tpu.memory_space<vmem>>, vector<64x32xf32>,
    %get3A_928 = arith.constant 0 : index
    %get3A_929 = arith.constant 11536 : index
    %get3A_930 = vector.load %arg1[%get3A_928, %get3A_929] : memref<64x22400xf32, #tpu.memory_space<vmem>>, vector<64x112xf32>
    %swap3A_931 = arith.constant 0 : index
    %swap3A_932 = arith.constant 14832 : index
    %swap3A_933 = vector.load %arg3[%swap3A_931, %swap3A_932] : memref<64x28800xf32, #tpu.memory_space<vmem>>, vector<64x112xf32>
    tpu.vector_store %arg3[%swap3A_931, %swap3A_932], %get3A_930 {strides = array<i32>} : memref<64x28800xf32, #tpu.memory_space<vmem>>, vector<64x112xf32>,
    %swap3A_934 = arith.constant 0 : index
    %swap3A_935 = arith.constant 14944 : index
    %swap3A_936 = vector.load %arg3[%swap3A_934, %swap3A_935] : memref<64x28800xf32, #tpu.memory_space<vmem>>, vector<64x32xf32>
    tpu.vector_store %arg3[%swap3A_934, %swap3A_935], %get3A_1 {strides = array<i32>} : memref<64x28800xf32, #tpu.memory_space<vmem>>, vector<64x32xf32>,
    %get3A_937 = arith.constant 0 : index
    %get3A_938 = arith.constant 11648 : index
    %get3A_939 = vector.load %arg1[%get3A_937, %get3A_938] : memref<64x22400xf32, #tpu.memory_space<vmem>>, vector<64x112xf32>
    %swap3A_940 = arith.constant 0 : index
    %swap3A_941 = arith.constant 14976 : index
    %swap3A_942 = vector.load %arg3[%swap3A_940, %swap3A_941] : memref<64x28800xf32, #tpu.memory_space<vmem>>, vector<64x112xf32>
    tpu.vector_store %arg3[%swap3A_940, %swap3A_941], %get3A_939 {strides = array<i32>} : memref<64x28800xf32, #tpu.memory_space<vmem>>, vector<64x112xf32>,
    %swap3A_943 = arith.constant 0 : index
    %swap3A_944 = arith.constant 15088 : index
    %swap3A_945 = vector.load %arg3[%swap3A_943, %swap3A_944] : memref<64x28800xf32, #tpu.memory_space<vmem>>, vector<64x32xf32>
    tpu.vector_store %arg3[%swap3A_943, %swap3A_944], %get3A_1 {strides = array<i32>} : memref<64x28800xf32, #tpu.memory_space<vmem>>, vector<64x32xf32>,
    %get3A_946 = arith.constant 0 : index
    %get3A_947 = arith.constant 11760 : index
    %get3A_948 = vector.load %arg1[%get3A_946, %get3A_947] : memref<64x22400xf32, #tpu.memory_space<vmem>>, vector<64x112xf32>
    %swap3A_949 = arith.constant 0 : index
    %swap3A_950 = arith.constant 15120 : index
    %swap3A_951 = vector.load %arg3[%swap3A_949, %swap3A_950] : memref<64x28800xf32, #tpu.memory_space<vmem>>, vector<64x112xf32>
    tpu.vector_store %arg3[%swap3A_949, %swap3A_950], %get3A_948 {strides = array<i32>} : memref<64x28800xf32, #tpu.memory_space<vmem>>, vector<64x112xf32>,
    %swap3A_952 = arith.constant 0 : index
    %swap3A_953 = arith.constant 15232 : index
    %swap3A_954 = vector.load %arg3[%swap3A_952, %swap3A_953] : memref<64x28800xf32, #tpu.memory_space<vmem>>, vector<64x32xf32>
    tpu.vector_store %arg3[%swap3A_952, %swap3A_953], %get3A_1 {strides = array<i32>} : memref<64x28800xf32, #tpu.memory_space<vmem>>, vector<64x32xf32>,
    %get3A_955 = arith.constant 0 : index
    %get3A_956 = arith.constant 11872 : index
    %get3A_957 = vector.load %arg1[%get3A_955, %get3A_956] : memref<64x22400xf32, #tpu.memory_space<vmem>>, vector<64x112xf32>
    %swap3A_958 = arith.constant 0 : index
    %swap3A_959 = arith.constant 15264 : index
    %swap3A_960 = vector.load %arg3[%swap3A_958, %swap3A_959] : memref<64x28800xf32, #tpu.memory_space<vmem>>, vector<64x112xf32>
    tpu.vector_store %arg3[%swap3A_958, %swap3A_959], %get3A_957 {strides = array<i32>} : memref<64x28800xf32, #tpu.memory_space<vmem>>, vector<64x112xf32>,
    %swap3A_961 = arith.constant 0 : index
    %swap3A_962 = arith.constant 15376 : index
    %swap3A_963 = vector.load %arg3[%swap3A_961, %swap3A_962] : memref<64x28800xf32, #tpu.memory_space<vmem>>, vector<64x32xf32>
    tpu.vector_store %arg3[%swap3A_961, %swap3A_962], %get3A_1 {strides = array<i32>} : memref<64x28800xf32, #tpu.memory_space<vmem>>, vector<64x32xf32>,
    %get3A_964 = arith.constant 0 : index
    %get3A_965 = arith.constant 11984 : index
    %get3A_966 = vector.load %arg1[%get3A_964, %get3A_965] : memref<64x22400xf32, #tpu.memory_space<vmem>>, vector<64x112xf32>
    %swap3A_967 = arith.constant 0 : index
    %swap3A_968 = arith.constant 15408 : index
    %swap3A_969 = vector.load %arg3[%swap3A_967, %swap3A_968] : memref<64x28800xf32, #tpu.memory_space<vmem>>, vector<64x112xf32>
    tpu.vector_store %arg3[%swap3A_967, %swap3A_968], %get3A_966 {strides = array<i32>} : memref<64x28800xf32, #tpu.memory_space<vmem>>, vector<64x112xf32>,
    %swap3A_970 = arith.constant 0 : index
    %swap3A_971 = arith.constant 15520 : index
    %swap3A_972 = vector.load %arg3[%swap3A_970, %swap3A_971] : memref<64x28800xf32, #tpu.memory_space<vmem>>, vector<64x32xf32>
    tpu.vector_store %arg3[%swap3A_970, %swap3A_971], %get3A_1 {strides = array<i32>} : memref<64x28800xf32, #tpu.memory_space<vmem>>, vector<64x32xf32>,
    %get3A_973 = arith.constant 0 : index
    %get3A_974 = arith.constant 12096 : index
    %get3A_975 = vector.load %arg1[%get3A_973, %get3A_974] : memref<64x22400xf32, #tpu.memory_space<vmem>>, vector<64x112xf32>
    %swap3A_976 = arith.constant 0 : index
    %swap3A_977 = arith.constant 15552 : index
    %swap3A_978 = vector.load %arg3[%swap3A_976, %swap3A_977] : memref<64x28800xf32, #tpu.memory_space<vmem>>, vector<64x112xf32>
    tpu.vector_store %arg3[%swap3A_976, %swap3A_977], %get3A_975 {strides = array<i32>} : memref<64x28800xf32, #tpu.memory_space<vmem>>, vector<64x112xf32>,
    %swap3A_979 = arith.constant 0 : index
    %swap3A_980 = arith.constant 15664 : index
    %swap3A_981 = vector.load %arg3[%swap3A_979, %swap3A_980] : memref<64x28800xf32, #tpu.memory_space<vmem>>, vector<64x32xf32>
    tpu.vector_store %arg3[%swap3A_979, %swap3A_980], %get3A_1 {strides = array<i32>} : memref<64x28800xf32, #tpu.memory_space<vmem>>, vector<64x32xf32>,
    %get3A_982 = arith.constant 0 : index
    %get3A_983 = arith.constant 12208 : index
    %get3A_984 = vector.load %arg1[%get3A_982, %get3A_983] : memref<64x22400xf32, #tpu.memory_space<vmem>>, vector<64x112xf32>
    %swap3A_985 = arith.constant 0 : index
    %swap3A_986 = arith.constant 15696 : index
    %swap3A_987 = vector.load %arg3[%swap3A_985, %swap3A_986] : memref<64x28800xf32, #tpu.memory_space<vmem>>, vector<64x112xf32>
    tpu.vector_store %arg3[%swap3A_985, %swap3A_986], %get3A_984 {strides = array<i32>} : memref<64x28800xf32, #tpu.memory_space<vmem>>, vector<64x112xf32>,
    %swap3A_988 = arith.constant 0 : index
    %swap3A_989 = arith.constant 15808 : index
    %swap3A_990 = vector.load %arg3[%swap3A_988, %swap3A_989] : memref<64x28800xf32, #tpu.memory_space<vmem>>, vector<64x32xf32>
    tpu.vector_store %arg3[%swap3A_988, %swap3A_989], %get3A_1 {strides = array<i32>} : memref<64x28800xf32, #tpu.memory_space<vmem>>, vector<64x32xf32>,
    %get3A_991 = arith.constant 0 : index
    %get3A_992 = arith.constant 12320 : index
    %get3A_993 = vector.load %arg1[%get3A_991, %get3A_992] : memref<64x22400xf32, #tpu.memory_space<vmem>>, vector<64x112xf32>
    %swap3A_994 = arith.constant 0 : index
    %swap3A_995 = arith.constant 15840 : index
    %swap3A_996 = vector.load %arg3[%swap3A_994, %swap3A_995] : memref<64x28800xf32, #tpu.memory_space<vmem>>, vector<64x112xf32>
    tpu.vector_store %arg3[%swap3A_994, %swap3A_995], %get3A_993 {strides = array<i32>} : memref<64x28800xf32, #tpu.memory_space<vmem>>, vector<64x112xf32>,
    %swap3A_997 = arith.constant 0 : index
    %swap3A_998 = arith.constant 15952 : index
    %swap3A_999 = vector.load %arg3[%swap3A_997, %swap3A_998] : memref<64x28800xf32, #tpu.memory_space<vmem>>, vector<64x32xf32>
    tpu.vector_store %arg3[%swap3A_997, %swap3A_998], %get3A_1 {strides = array<i32>} : memref<64x28800xf32, #tpu.memory_space<vmem>>, vector<64x32xf32>,
    %get3A_1000 = arith.constant 0 : index
    %get3A_1001 = arith.constant 12432 : index
    %get3A_1002 = vector.load %arg1[%get3A_1000, %get3A_1001] : memref<64x22400xf32, #tpu.memory_space<vmem>>, vector<64x112xf32>
    %swap3A_1003 = arith.constant 0 : index
    %swap3A_1004 = arith.constant 15984 : index
    %swap3A_1005 = vector.load %arg3[%swap3A_1003, %swap3A_1004] : memref<64x28800xf32, #tpu.memory_space<vmem>>, vector<64x112xf32>
    tpu.vector_store %arg3[%swap3A_1003, %swap3A_1004], %get3A_1002 {strides = array<i32>} : memref<64x28800xf32, #tpu.memory_space<vmem>>, vector<64x112xf32>,
    %swap3A_1006 = arith.constant 0 : index
    %swap3A_1007 = arith.constant 16096 : index
    %swap3A_1008 = vector.load %arg3[%swap3A_1006, %swap3A_1007] : memref<64x28800xf32, #tpu.memory_space<vmem>>, vector<64x32xf32>
    tpu.vector_store %arg3[%swap3A_1006, %swap3A_1007], %get3A_1 {strides = array<i32>} : memref<64x28800xf32, #tpu.memory_space<vmem>>, vector<64x32xf32>,
    %get3A_1009 = arith.constant 0 : index
    %get3A_1010 = arith.constant 12544 : index
    %get3A_1011 = vector.load %arg1[%get3A_1009, %get3A_1010] : memref<64x22400xf32, #tpu.memory_space<vmem>>, vector<64x112xf32>
    %swap3A_1012 = arith.constant 0 : index
    %swap3A_1013 = arith.constant 16128 : index
    %swap3A_1014 = vector.load %arg3[%swap3A_1012, %swap3A_1013] : memref<64x28800xf32, #tpu.memory_space<vmem>>, vector<64x112xf32>
    tpu.vector_store %arg3[%swap3A_1012, %swap3A_1013], %get3A_1011 {strides = array<i32>} : memref<64x28800xf32, #tpu.memory_space<vmem>>, vector<64x112xf32>,
    %swap3A_1015 = arith.constant 0 : index
    %swap3A_1016 = arith.constant 16240 : index
    %swap3A_1017 = vector.load %arg3[%swap3A_1015, %swap3A_1016] : memref<64x28800xf32, #tpu.memory_space<vmem>>, vector<64x32xf32>
    tpu.vector_store %arg3[%swap3A_1015, %swap3A_1016], %get3A_1 {strides = array<i32>} : memref<64x28800xf32, #tpu.memory_space<vmem>>, vector<64x32xf32>,
    %get3A_1018 = arith.constant 0 : index
    %get3A_1019 = arith.constant 12656 : index
    %get3A_1020 = vector.load %arg1[%get3A_1018, %get3A_1019] : memref<64x22400xf32, #tpu.memory_space<vmem>>, vector<64x112xf32>
    %swap3A_1021 = arith.constant 0 : index
    %swap3A_1022 = arith.constant 16272 : index
    %swap3A_1023 = vector.load %arg3[%swap3A_1021, %swap3A_1022] : memref<64x28800xf32, #tpu.memory_space<vmem>>, vector<64x112xf32>
    tpu.vector_store %arg3[%swap3A_1021, %swap3A_1022], %get3A_1020 {strides = array<i32>} : memref<64x28800xf32, #tpu.memory_space<vmem>>, vector<64x112xf32>,
    %swap3A_1024 = arith.constant 0 : index
    %swap3A_1025 = arith.constant 16384 : index
    %swap3A_1026 = vector.load %arg3[%swap3A_1024, %swap3A_1025] : memref<64x28800xf32, #tpu.memory_space<vmem>>, vector<64x32xf32>
    tpu.vector_store %arg3[%swap3A_1024, %swap3A_1025], %get3A_1 {strides = array<i32>} : memref<64x28800xf32, #tpu.memory_space<vmem>>, vector<64x32xf32>,
    %get3A_1027 = arith.constant 0 : index
    %get3A_1028 = arith.constant 12768 : index
    %get3A_1029 = vector.load %arg1[%get3A_1027, %get3A_1028] : memref<64x22400xf32, #tpu.memory_space<vmem>>, vector<64x112xf32>
    %swap3A_1030 = arith.constant 0 : index
    %swap3A_1031 = arith.constant 16416 : index
    %swap3A_1032 = vector.load %arg3[%swap3A_1030, %swap3A_1031] : memref<64x28800xf32, #tpu.memory_space<vmem>>, vector<64x112xf32>
    tpu.vector_store %arg3[%swap3A_1030, %swap3A_1031], %get3A_1029 {strides = array<i32>} : memref<64x28800xf32, #tpu.memory_space<vmem>>, vector<64x112xf32>,
    %swap3A_1033 = arith.constant 0 : index
    %swap3A_1034 = arith.constant 16528 : index
    %swap3A_1035 = vector.load %arg3[%swap3A_1033, %swap3A_1034] : memref<64x28800xf32, #tpu.memory_space<vmem>>, vector<64x32xf32>
    tpu.vector_store %arg3[%swap3A_1033, %swap3A_1034], %get3A_1 {strides = array<i32>} : memref<64x28800xf32, #tpu.memory_space<vmem>>, vector<64x32xf32>,
    %get3A_1036 = arith.constant 0 : index
    %get3A_1037 = arith.constant 12880 : index
    %get3A_1038 = vector.load %arg1[%get3A_1036, %get3A_1037] : memref<64x22400xf32, #tpu.memory_space<vmem>>, vector<64x112xf32>
    %swap3A_1039 = arith.constant 0 : index
    %swap3A_1040 = arith.constant 16560 : index
    %swap3A_1041 = vector.load %arg3[%swap3A_1039, %swap3A_1040] : memref<64x28800xf32, #tpu.memory_space<vmem>>, vector<64x112xf32>
    tpu.vector_store %arg3[%swap3A_1039, %swap3A_1040], %get3A_1038 {strides = array<i32>} : memref<64x28800xf32, #tpu.memory_space<vmem>>, vector<64x112xf32>,
    %swap3A_1042 = arith.constant 0 : index
    %swap3A_1043 = arith.constant 16672 : index
    %swap3A_1044 = vector.load %arg3[%swap3A_1042, %swap3A_1043] : memref<64x28800xf32, #tpu.memory_space<vmem>>, vector<64x32xf32>
    tpu.vector_store %arg3[%swap3A_1042, %swap3A_1043], %get3A_1 {strides = array<i32>} : memref<64x28800xf32, #tpu.memory_space<vmem>>, vector<64x32xf32>,
    %get3A_1045 = arith.constant 0 : index
    %get3A_1046 = arith.constant 12992 : index
    %get3A_1047 = vector.load %arg1[%get3A_1045, %get3A_1046] : memref<64x22400xf32, #tpu.memory_space<vmem>>, vector<64x112xf32>
    %swap3A_1048 = arith.constant 0 : index
    %swap3A_1049 = arith.constant 16704 : index
    %swap3A_1050 = vector.load %arg3[%swap3A_1048, %swap3A_1049] : memref<64x28800xf32, #tpu.memory_space<vmem>>, vector<64x112xf32>
    tpu.vector_store %arg3[%swap3A_1048, %swap3A_1049], %get3A_1047 {strides = array<i32>} : memref<64x28800xf32, #tpu.memory_space<vmem>>, vector<64x112xf32>,
    %swap3A_1051 = arith.constant 0 : index
    %swap3A_1052 = arith.constant 16816 : index
    %swap3A_1053 = vector.load %arg3[%swap3A_1051, %swap3A_1052] : memref<64x28800xf32, #tpu.memory_space<vmem>>, vector<64x32xf32>
    tpu.vector_store %arg3[%swap3A_1051, %swap3A_1052], %get3A_1 {strides = array<i32>} : memref<64x28800xf32, #tpu.memory_space<vmem>>, vector<64x32xf32>,
    %get3A_1054 = arith.constant 0 : index
    %get3A_1055 = arith.constant 13104 : index
    %get3A_1056 = vector.load %arg1[%get3A_1054, %get3A_1055] : memref<64x22400xf32, #tpu.memory_space<vmem>>, vector<64x112xf32>
    %swap3A_1057 = arith.constant 0 : index
    %swap3A_1058 = arith.constant 16848 : index
    %swap3A_1059 = vector.load %arg3[%swap3A_1057, %swap3A_1058] : memref<64x28800xf32, #tpu.memory_space<vmem>>, vector<64x112xf32>
    tpu.vector_store %arg3[%swap3A_1057, %swap3A_1058], %get3A_1056 {strides = array<i32>} : memref<64x28800xf32, #tpu.memory_space<vmem>>, vector<64x112xf32>,
    %swap3A_1060 = arith.constant 0 : index
    %swap3A_1061 = arith.constant 16960 : index
    %swap3A_1062 = vector.load %arg3[%swap3A_1060, %swap3A_1061] : memref<64x28800xf32, #tpu.memory_space<vmem>>, vector<64x32xf32>
    tpu.vector_store %arg3[%swap3A_1060, %swap3A_1061], %get3A_1 {strides = array<i32>} : memref<64x28800xf32, #tpu.memory_space<vmem>>, vector<64x32xf32>,
    %get3A_1063 = arith.constant 0 : index
    %get3A_1064 = arith.constant 13216 : index
    %get3A_1065 = vector.load %arg1[%get3A_1063, %get3A_1064] : memref<64x22400xf32, #tpu.memory_space<vmem>>, vector<64x112xf32>
    %swap3A_1066 = arith.constant 0 : index
    %swap3A_1067 = arith.constant 16992 : index
    %swap3A_1068 = vector.load %arg3[%swap3A_1066, %swap3A_1067] : memref<64x28800xf32, #tpu.memory_space<vmem>>, vector<64x112xf32>
    tpu.vector_store %arg3[%swap3A_1066, %swap3A_1067], %get3A_1065 {strides = array<i32>} : memref<64x28800xf32, #tpu.memory_space<vmem>>, vector<64x112xf32>,
    %swap3A_1069 = arith.constant 0 : index
    %swap3A_1070 = arith.constant 17104 : index
    %swap3A_1071 = vector.load %arg3[%swap3A_1069, %swap3A_1070] : memref<64x28800xf32, #tpu.memory_space<vmem>>, vector<64x32xf32>
    tpu.vector_store %arg3[%swap3A_1069, %swap3A_1070], %get3A_1 {strides = array<i32>} : memref<64x28800xf32, #tpu.memory_space<vmem>>, vector<64x32xf32>,
    %get3A_1072 = arith.constant 0 : index
    %get3A_1073 = arith.constant 13328 : index
    %get3A_1074 = vector.load %arg1[%get3A_1072, %get3A_1073] : memref<64x22400xf32, #tpu.memory_space<vmem>>, vector<64x112xf32>
    %swap3A_1075 = arith.constant 0 : index
    %swap3A_1076 = arith.constant 17136 : index
    %swap3A_1077 = vector.load %arg3[%swap3A_1075, %swap3A_1076] : memref<64x28800xf32, #tpu.memory_space<vmem>>, vector<64x112xf32>
    tpu.vector_store %arg3[%swap3A_1075, %swap3A_1076], %get3A_1074 {strides = array<i32>} : memref<64x28800xf32, #tpu.memory_space<vmem>>, vector<64x112xf32>,
    %swap3A_1078 = arith.constant 0 : index
    %swap3A_1079 = arith.constant 17248 : index
    %swap3A_1080 = vector.load %arg3[%swap3A_1078, %swap3A_1079] : memref<64x28800xf32, #tpu.memory_space<vmem>>, vector<64x32xf32>
    tpu.vector_store %arg3[%swap3A_1078, %swap3A_1079], %get3A_1 {strides = array<i32>} : memref<64x28800xf32, #tpu.memory_space<vmem>>, vector<64x32xf32>,
    %get3A_1081 = arith.constant 0 : index
    %get3A_1082 = arith.constant 13440 : index
    %get3A_1083 = vector.load %arg1[%get3A_1081, %get3A_1082] : memref<64x22400xf32, #tpu.memory_space<vmem>>, vector<64x112xf32>
    %swap3A_1084 = arith.constant 0 : index
    %swap3A_1085 = arith.constant 17280 : index
    %swap3A_1086 = vector.load %arg3[%swap3A_1084, %swap3A_1085] : memref<64x28800xf32, #tpu.memory_space<vmem>>, vector<64x112xf32>
    tpu.vector_store %arg3[%swap3A_1084, %swap3A_1085], %get3A_1083 {strides = array<i32>} : memref<64x28800xf32, #tpu.memory_space<vmem>>, vector<64x112xf32>,
    %swap3A_1087 = arith.constant 0 : index
    %swap3A_1088 = arith.constant 17392 : index
    %swap3A_1089 = vector.load %arg3[%swap3A_1087, %swap3A_1088] : memref<64x28800xf32, #tpu.memory_space<vmem>>, vector<64x32xf32>
    tpu.vector_store %arg3[%swap3A_1087, %swap3A_1088], %get3A_1 {strides = array<i32>} : memref<64x28800xf32, #tpu.memory_space<vmem>>, vector<64x32xf32>,
    %get3A_1090 = arith.constant 0 : index
    %get3A_1091 = arith.constant 13552 : index
    %get3A_1092 = vector.load %arg1[%get3A_1090, %get3A_1091] : memref<64x22400xf32, #tpu.memory_space<vmem>>, vector<64x112xf32>
    %swap3A_1093 = arith.constant 0 : index
    %swap3A_1094 = arith.constant 17424 : index
    %swap3A_1095 = vector.load %arg3[%swap3A_1093, %swap3A_1094] : memref<64x28800xf32, #tpu.memory_space<vmem>>, vector<64x112xf32>
    tpu.vector_store %arg3[%swap3A_1093, %swap3A_1094], %get3A_1092 {strides = array<i32>} : memref<64x28800xf32, #tpu.memory_space<vmem>>, vector<64x112xf32>,
    %swap3A_1096 = arith.constant 0 : index
    %swap3A_1097 = arith.constant 17536 : index
    %swap3A_1098 = vector.load %arg3[%swap3A_1096, %swap3A_1097] : memref<64x28800xf32, #tpu.memory_space<vmem>>, vector<64x32xf32>
    tpu.vector_store %arg3[%swap3A_1096, %swap3A_1097], %get3A_1 {strides = array<i32>} : memref<64x28800xf32, #tpu.memory_space<vmem>>, vector<64x32xf32>,
    %get3A_1099 = arith.constant 0 : index
    %get3A_1100 = arith.constant 13664 : index
    %get3A_1101 = vector.load %arg1[%get3A_1099, %get3A_1100] : memref<64x22400xf32, #tpu.memory_space<vmem>>, vector<64x112xf32>
    %swap3A_1102 = arith.constant 0 : index
    %swap3A_1103 = arith.constant 17568 : index
    %swap3A_1104 = vector.load %arg3[%swap3A_1102, %swap3A_1103] : memref<64x28800xf32, #tpu.memory_space<vmem>>, vector<64x112xf32>
    tpu.vector_store %arg3[%swap3A_1102, %swap3A_1103], %get3A_1101 {strides = array<i32>} : memref<64x28800xf32, #tpu.memory_space<vmem>>, vector<64x112xf32>,
    %swap3A_1105 = arith.constant 0 : index
    %swap3A_1106 = arith.constant 17680 : index
    %swap3A_1107 = vector.load %arg3[%swap3A_1105, %swap3A_1106] : memref<64x28800xf32, #tpu.memory_space<vmem>>, vector<64x32xf32>
    tpu.vector_store %arg3[%swap3A_1105, %swap3A_1106], %get3A_1 {strides = array<i32>} : memref<64x28800xf32, #tpu.memory_space<vmem>>, vector<64x32xf32>,
    %get3A_1108 = arith.constant 0 : index
    %get3A_1109 = arith.constant 13776 : index
    %get3A_1110 = vector.load %arg1[%get3A_1108, %get3A_1109] : memref<64x22400xf32, #tpu.memory_space<vmem>>, vector<64x112xf32>
    %swap3A_1111 = arith.constant 0 : index
    %swap3A_1112 = arith.constant 17712 : index
    %swap3A_1113 = vector.load %arg3[%swap3A_1111, %swap3A_1112] : memref<64x28800xf32, #tpu.memory_space<vmem>>, vector<64x112xf32>
    tpu.vector_store %arg3[%swap3A_1111, %swap3A_1112], %get3A_1110 {strides = array<i32>} : memref<64x28800xf32, #tpu.memory_space<vmem>>, vector<64x112xf32>,
    %swap3A_1114 = arith.constant 0 : index
    %swap3A_1115 = arith.constant 17824 : index
    %swap3A_1116 = vector.load %arg3[%swap3A_1114, %swap3A_1115] : memref<64x28800xf32, #tpu.memory_space<vmem>>, vector<64x32xf32>
    tpu.vector_store %arg3[%swap3A_1114, %swap3A_1115], %get3A_1 {strides = array<i32>} : memref<64x28800xf32, #tpu.memory_space<vmem>>, vector<64x32xf32>,
    %get3A_1117 = arith.constant 0 : index
    %get3A_1118 = arith.constant 13888 : index
    %get3A_1119 = vector.load %arg1[%get3A_1117, %get3A_1118] : memref<64x22400xf32, #tpu.memory_space<vmem>>, vector<64x112xf32>
    %swap3A_1120 = arith.constant 0 : index
    %swap3A_1121 = arith.constant 17856 : index
    %swap3A_1122 = vector.load %arg3[%swap3A_1120, %swap3A_1121] : memref<64x28800xf32, #tpu.memory_space<vmem>>, vector<64x112xf32>
    tpu.vector_store %arg3[%swap3A_1120, %swap3A_1121], %get3A_1119 {strides = array<i32>} : memref<64x28800xf32, #tpu.memory_space<vmem>>, vector<64x112xf32>,
    %swap3A_1123 = arith.constant 0 : index
    %swap3A_1124 = arith.constant 17968 : index
    %swap3A_1125 = vector.load %arg3[%swap3A_1123, %swap3A_1124] : memref<64x28800xf32, #tpu.memory_space<vmem>>, vector<64x32xf32>
    tpu.vector_store %arg3[%swap3A_1123, %swap3A_1124], %get3A_1 {strides = array<i32>} : memref<64x28800xf32, #tpu.memory_space<vmem>>, vector<64x32xf32>,
    %get3A_1126 = arith.constant 0 : index
    %get3A_1127 = arith.constant 14000 : index
    %get3A_1128 = vector.load %arg1[%get3A_1126, %get3A_1127] : memref<64x22400xf32, #tpu.memory_space<vmem>>, vector<64x112xf32>
    %swap3A_1129 = arith.constant 0 : index
    %swap3A_1130 = arith.constant 18000 : index
    %swap3A_1131 = vector.load %arg3[%swap3A_1129, %swap3A_1130] : memref<64x28800xf32, #tpu.memory_space<vmem>>, vector<64x112xf32>
    tpu.vector_store %arg3[%swap3A_1129, %swap3A_1130], %get3A_1128 {strides = array<i32>} : memref<64x28800xf32, #tpu.memory_space<vmem>>, vector<64x112xf32>,
    %swap3A_1132 = arith.constant 0 : index
    %swap3A_1133 = arith.constant 18112 : index
    %swap3A_1134 = vector.load %arg3[%swap3A_1132, %swap3A_1133] : memref<64x28800xf32, #tpu.memory_space<vmem>>, vector<64x32xf32>
    tpu.vector_store %arg3[%swap3A_1132, %swap3A_1133], %get3A_1 {strides = array<i32>} : memref<64x28800xf32, #tpu.memory_space<vmem>>, vector<64x32xf32>,
    %get3A_1135 = arith.constant 0 : index
    %get3A_1136 = arith.constant 14112 : index
    %get3A_1137 = vector.load %arg1[%get3A_1135, %get3A_1136] : memref<64x22400xf32, #tpu.memory_space<vmem>>, vector<64x112xf32>
    %swap3A_1138 = arith.constant 0 : index
    %swap3A_1139 = arith.constant 18144 : index
    %swap3A_1140 = vector.load %arg3[%swap3A_1138, %swap3A_1139] : memref<64x28800xf32, #tpu.memory_space<vmem>>, vector<64x112xf32>
    tpu.vector_store %arg3[%swap3A_1138, %swap3A_1139], %get3A_1137 {strides = array<i32>} : memref<64x28800xf32, #tpu.memory_space<vmem>>, vector<64x112xf32>,
    %swap3A_1141 = arith.constant 0 : index
    %swap3A_1142 = arith.constant 18256 : index
    %swap3A_1143 = vector.load %arg3[%swap3A_1141, %swap3A_1142] : memref<64x28800xf32, #tpu.memory_space<vmem>>, vector<64x32xf32>
    tpu.vector_store %arg3[%swap3A_1141, %swap3A_1142], %get3A_1 {strides = array<i32>} : memref<64x28800xf32, #tpu.memory_space<vmem>>, vector<64x32xf32>,
    %get3A_1144 = arith.constant 0 : index
    %get3A_1145 = arith.constant 14224 : index
    %get3A_1146 = vector.load %arg1[%get3A_1144, %get3A_1145] : memref<64x22400xf32, #tpu.memory_space<vmem>>, vector<64x112xf32>
    %swap3A_1147 = arith.constant 0 : index
    %swap3A_1148 = arith.constant 18288 : index
    %swap3A_1149 = vector.load %arg3[%swap3A_1147, %swap3A_1148] : memref<64x28800xf32, #tpu.memory_space<vmem>>, vector<64x112xf32>
    tpu.vector_store %arg3[%swap3A_1147, %swap3A_1148], %get3A_1146 {strides = array<i32>} : memref<64x28800xf32, #tpu.memory_space<vmem>>, vector<64x112xf32>,
    %swap3A_1150 = arith.constant 0 : index
    %swap3A_1151 = arith.constant 18400 : index
    %swap3A_1152 = vector.load %arg3[%swap3A_1150, %swap3A_1151] : memref<64x28800xf32, #tpu.memory_space<vmem>>, vector<64x32xf32>
    tpu.vector_store %arg3[%swap3A_1150, %swap3A_1151], %get3A_1 {strides = array<i32>} : memref<64x28800xf32, #tpu.memory_space<vmem>>, vector<64x32xf32>,
    %get3A_1153 = arith.constant 0 : index
    %get3A_1154 = arith.constant 14336 : index
    %get3A_1155 = vector.load %arg1[%get3A_1153, %get3A_1154] : memref<64x22400xf32, #tpu.memory_space<vmem>>, vector<64x112xf32>
    %swap3A_1156 = arith.constant 0 : index
    %swap3A_1157 = arith.constant 18432 : index
    %swap3A_1158 = vector.load %arg3[%swap3A_1156, %swap3A_1157] : memref<64x28800xf32, #tpu.memory_space<vmem>>, vector<64x112xf32>
    tpu.vector_store %arg3[%swap3A_1156, %swap3A_1157], %get3A_1155 {strides = array<i32>} : memref<64x28800xf32, #tpu.memory_space<vmem>>, vector<64x112xf32>,
    %swap3A_1159 = arith.constant 0 : index
    %swap3A_1160 = arith.constant 18544 : index
    %swap3A_1161 = vector.load %arg3[%swap3A_1159, %swap3A_1160] : memref<64x28800xf32, #tpu.memory_space<vmem>>, vector<64x32xf32>
    tpu.vector_store %arg3[%swap3A_1159, %swap3A_1160], %get3A_1 {strides = array<i32>} : memref<64x28800xf32, #tpu.memory_space<vmem>>, vector<64x32xf32>,
    %get3A_1162 = arith.constant 0 : index
    %get3A_1163 = arith.constant 14448 : index
    %get3A_1164 = vector.load %arg1[%get3A_1162, %get3A_1163] : memref<64x22400xf32, #tpu.memory_space<vmem>>, vector<64x112xf32>
    %swap3A_1165 = arith.constant 0 : index
    %swap3A_1166 = arith.constant 18576 : index
    %swap3A_1167 = vector.load %arg3[%swap3A_1165, %swap3A_1166] : memref<64x28800xf32, #tpu.memory_space<vmem>>, vector<64x112xf32>
    tpu.vector_store %arg3[%swap3A_1165, %swap3A_1166], %get3A_1164 {strides = array<i32>} : memref<64x28800xf32, #tpu.memory_space<vmem>>, vector<64x112xf32>,
    %swap3A_1168 = arith.constant 0 : index
    %swap3A_1169 = arith.constant 18688 : index
    %swap3A_1170 = vector.load %arg3[%swap3A_1168, %swap3A_1169] : memref<64x28800xf32, #tpu.memory_space<vmem>>, vector<64x32xf32>
    tpu.vector_store %arg3[%swap3A_1168, %swap3A_1169], %get3A_1 {strides = array<i32>} : memref<64x28800xf32, #tpu.memory_space<vmem>>, vector<64x32xf32>,
    %get3A_1171 = arith.constant 0 : index
    %get3A_1172 = arith.constant 14560 : index
    %get3A_1173 = vector.load %arg1[%get3A_1171, %get3A_1172] : memref<64x22400xf32, #tpu.memory_space<vmem>>, vector<64x112xf32>
    %swap3A_1174 = arith.constant 0 : index
    %swap3A_1175 = arith.constant 18720 : index
    %swap3A_1176 = vector.load %arg3[%swap3A_1174, %swap3A_1175] : memref<64x28800xf32, #tpu.memory_space<vmem>>, vector<64x112xf32>
    tpu.vector_store %arg3[%swap3A_1174, %swap3A_1175], %get3A_1173 {strides = array<i32>} : memref<64x28800xf32, #tpu.memory_space<vmem>>, vector<64x112xf32>,
    %swap3A_1177 = arith.constant 0 : index
    %swap3A_1178 = arith.constant 18832 : index
    %swap3A_1179 = vector.load %arg3[%swap3A_1177, %swap3A_1178] : memref<64x28800xf32, #tpu.memory_space<vmem>>, vector<64x32xf32>
    tpu.vector_store %arg3[%swap3A_1177, %swap3A_1178], %get3A_1 {strides = array<i32>} : memref<64x28800xf32, #tpu.memory_space<vmem>>, vector<64x32xf32>,
    %get3A_1180 = arith.constant 0 : index
    %get3A_1181 = arith.constant 14672 : index
    %get3A_1182 = vector.load %arg1[%get3A_1180, %get3A_1181] : memref<64x22400xf32, #tpu.memory_space<vmem>>, vector<64x112xf32>
    %swap3A_1183 = arith.constant 0 : index
    %swap3A_1184 = arith.constant 18864 : index
    %swap3A_1185 = vector.load %arg3[%swap3A_1183, %swap3A_1184] : memref<64x28800xf32, #tpu.memory_space<vmem>>, vector<64x112xf32>
    tpu.vector_store %arg3[%swap3A_1183, %swap3A_1184], %get3A_1182 {strides = array<i32>} : memref<64x28800xf32, #tpu.memory_space<vmem>>, vector<64x112xf32>,
    %swap3A_1186 = arith.constant 0 : index
    %swap3A_1187 = arith.constant 18976 : index
    %swap3A_1188 = vector.load %arg3[%swap3A_1186, %swap3A_1187] : memref<64x28800xf32, #tpu.memory_space<vmem>>, vector<64x32xf32>
    tpu.vector_store %arg3[%swap3A_1186, %swap3A_1187], %get3A_1 {strides = array<i32>} : memref<64x28800xf32, #tpu.memory_space<vmem>>, vector<64x32xf32>,
    %get3A_1189 = arith.constant 0 : index
    %get3A_1190 = arith.constant 14784 : index
    %get3A_1191 = vector.load %arg1[%get3A_1189, %get3A_1190] : memref<64x22400xf32, #tpu.memory_space<vmem>>, vector<64x112xf32>
    %swap3A_1192 = arith.constant 0 : index
    %swap3A_1193 = arith.constant 19008 : index
    %swap3A_1194 = vector.load %arg3[%swap3A_1192, %swap3A_1193] : memref<64x28800xf32, #tpu.memory_space<vmem>>, vector<64x112xf32>
    tpu.vector_store %arg3[%swap3A_1192, %swap3A_1193], %get3A_1191 {strides = array<i32>} : memref<64x28800xf32, #tpu.memory_space<vmem>>, vector<64x112xf32>,
    %swap3A_1195 = arith.constant 0 : index
    %swap3A_1196 = arith.constant 19120 : index
    %swap3A_1197 = vector.load %arg3[%swap3A_1195, %swap3A_1196] : memref<64x28800xf32, #tpu.memory_space<vmem>>, vector<64x32xf32>
    tpu.vector_store %arg3[%swap3A_1195, %swap3A_1196], %get3A_1 {strides = array<i32>} : memref<64x28800xf32, #tpu.memory_space<vmem>>, vector<64x32xf32>,
    %get3A_1198 = arith.constant 0 : index
    %get3A_1199 = arith.constant 14896 : index
    %get3A_1200 = vector.load %arg1[%get3A_1198, %get3A_1199] : memref<64x22400xf32, #tpu.memory_space<vmem>>, vector<64x112xf32>
    %swap3A_1201 = arith.constant 0 : index
    %swap3A_1202 = arith.constant 19152 : index
    %swap3A_1203 = vector.load %arg3[%swap3A_1201, %swap3A_1202] : memref<64x28800xf32, #tpu.memory_space<vmem>>, vector<64x112xf32>
    tpu.vector_store %arg3[%swap3A_1201, %swap3A_1202], %get3A_1200 {strides = array<i32>} : memref<64x28800xf32, #tpu.memory_space<vmem>>, vector<64x112xf32>,
    %swap3A_1204 = arith.constant 0 : index
    %swap3A_1205 = arith.constant 19264 : index
    %swap3A_1206 = vector.load %arg3[%swap3A_1204, %swap3A_1205] : memref<64x28800xf32, #tpu.memory_space<vmem>>, vector<64x32xf32>
    tpu.vector_store %arg3[%swap3A_1204, %swap3A_1205], %get3A_1 {strides = array<i32>} : memref<64x28800xf32, #tpu.memory_space<vmem>>, vector<64x32xf32>,
    %get3A_1207 = arith.constant 0 : index
    %get3A_1208 = arith.constant 15008 : index
    %get3A_1209 = vector.load %arg1[%get3A_1207, %get3A_1208] : memref<64x22400xf32, #tpu.memory_space<vmem>>, vector<64x112xf32>
    %swap3A_1210 = arith.constant 0 : index
    %swap3A_1211 = arith.constant 19296 : index
    %swap3A_1212 = vector.load %arg3[%swap3A_1210, %swap3A_1211] : memref<64x28800xf32, #tpu.memory_space<vmem>>, vector<64x112xf32>
    tpu.vector_store %arg3[%swap3A_1210, %swap3A_1211], %get3A_1209 {strides = array<i32>} : memref<64x28800xf32, #tpu.memory_space<vmem>>, vector<64x112xf32>,
    %swap3A_1213 = arith.constant 0 : index
    %swap3A_1214 = arith.constant 19408 : index
    %swap3A_1215 = vector.load %arg3[%swap3A_1213, %swap3A_1214] : memref<64x28800xf32, #tpu.memory_space<vmem>>, vector<64x32xf32>
    tpu.vector_store %arg3[%swap3A_1213, %swap3A_1214], %get3A_1 {strides = array<i32>} : memref<64x28800xf32, #tpu.memory_space<vmem>>, vector<64x32xf32>,
    %get3A_1216 = arith.constant 0 : index
    %get3A_1217 = arith.constant 15120 : index
    %get3A_1218 = vector.load %arg1[%get3A_1216, %get3A_1217] : memref<64x22400xf32, #tpu.memory_space<vmem>>, vector<64x112xf32>
    %swap3A_1219 = arith.constant 0 : index
    %swap3A_1220 = arith.constant 19440 : index
    %swap3A_1221 = vector.load %arg3[%swap3A_1219, %swap3A_1220] : memref<64x28800xf32, #tpu.memory_space<vmem>>, vector<64x112xf32>
    tpu.vector_store %arg3[%swap3A_1219, %swap3A_1220], %get3A_1218 {strides = array<i32>} : memref<64x28800xf32, #tpu.memory_space<vmem>>, vector<64x112xf32>,
    %swap3A_1222 = arith.constant 0 : index
    %swap3A_1223 = arith.constant 19552 : index
    %swap3A_1224 = vector.load %arg3[%swap3A_1222, %swap3A_1223] : memref<64x28800xf32, #tpu.memory_space<vmem>>, vector<64x32xf32>
    tpu.vector_store %arg3[%swap3A_1222, %swap3A_1223], %get3A_1 {strides = array<i32>} : memref<64x28800xf32, #tpu.memory_space<vmem>>, vector<64x32xf32>,
    %get3A_1225 = arith.constant 0 : index
    %get3A_1226 = arith.constant 15232 : index
    %get3A_1227 = vector.load %arg1[%get3A_1225, %get3A_1226] : memref<64x22400xf32, #tpu.memory_space<vmem>>, vector<64x112xf32>
    %swap3A_1228 = arith.constant 0 : index
    %swap3A_1229 = arith.constant 19584 : index
    %swap3A_1230 = vector.load %arg3[%swap3A_1228, %swap3A_1229] : memref<64x28800xf32, #tpu.memory_space<vmem>>, vector<64x112xf32>
    tpu.vector_store %arg3[%swap3A_1228, %swap3A_1229], %get3A_1227 {strides = array<i32>} : memref<64x28800xf32, #tpu.memory_space<vmem>>, vector<64x112xf32>,
    %swap3A_1231 = arith.constant 0 : index
    %swap3A_1232 = arith.constant 19696 : index
    %swap3A_1233 = vector.load %arg3[%swap3A_1231, %swap3A_1232] : memref<64x28800xf32, #tpu.memory_space<vmem>>, vector<64x32xf32>
    tpu.vector_store %arg3[%swap3A_1231, %swap3A_1232], %get3A_1 {strides = array<i32>} : memref<64x28800xf32, #tpu.memory_space<vmem>>, vector<64x32xf32>,
    %get3A_1234 = arith.constant 0 : index
    %get3A_1235 = arith.constant 15344 : index
    %get3A_1236 = vector.load %arg1[%get3A_1234, %get3A_1235] : memref<64x22400xf32, #tpu.memory_space<vmem>>, vector<64x112xf32>
    %swap3A_1237 = arith.constant 0 : index
    %swap3A_1238 = arith.constant 19728 : index
    %swap3A_1239 = vector.load %arg3[%swap3A_1237, %swap3A_1238] : memref<64x28800xf32, #tpu.memory_space<vmem>>, vector<64x112xf32>
    tpu.vector_store %arg3[%swap3A_1237, %swap3A_1238], %get3A_1236 {strides = array<i32>} : memref<64x28800xf32, #tpu.memory_space<vmem>>, vector<64x112xf32>,
    %swap3A_1240 = arith.constant 0 : index
    %swap3A_1241 = arith.constant 19840 : index
    %swap3A_1242 = vector.load %arg3[%swap3A_1240, %swap3A_1241] : memref<64x28800xf32, #tpu.memory_space<vmem>>, vector<64x32xf32>
    tpu.vector_store %arg3[%swap3A_1240, %swap3A_1241], %get3A_1 {strides = array<i32>} : memref<64x28800xf32, #tpu.memory_space<vmem>>, vector<64x32xf32>,
    %get3A_1243 = arith.constant 0 : index
    %get3A_1244 = arith.constant 15456 : index
    %get3A_1245 = vector.load %arg1[%get3A_1243, %get3A_1244] : memref<64x22400xf32, #tpu.memory_space<vmem>>, vector<64x112xf32>
    %swap3A_1246 = arith.constant 0 : index
    %swap3A_1247 = arith.constant 19872 : index
    %swap3A_1248 = vector.load %arg3[%swap3A_1246, %swap3A_1247] : memref<64x28800xf32, #tpu.memory_space<vmem>>, vector<64x112xf32>
    tpu.vector_store %arg3[%swap3A_1246, %swap3A_1247], %get3A_1245 {strides = array<i32>} : memref<64x28800xf32, #tpu.memory_space<vmem>>, vector<64x112xf32>,
    %swap3A_1249 = arith.constant 0 : index
    %swap3A_1250 = arith.constant 19984 : index
    %swap3A_1251 = vector.load %arg3[%swap3A_1249, %swap3A_1250] : memref<64x28800xf32, #tpu.memory_space<vmem>>, vector<64x32xf32>
    tpu.vector_store %arg3[%swap3A_1249, %swap3A_1250], %get3A_1 {strides = array<i32>} : memref<64x28800xf32, #tpu.memory_space<vmem>>, vector<64x32xf32>,
    %get3A_1252 = arith.constant 0 : index
    %get3A_1253 = arith.constant 15568 : index
    %get3A_1254 = vector.load %arg1[%get3A_1252, %get3A_1253] : memref<64x22400xf32, #tpu.memory_space<vmem>>, vector<64x112xf32>
    %swap3A_1255 = arith.constant 0 : index
    %swap3A_1256 = arith.constant 20016 : index
    %swap3A_1257 = vector.load %arg3[%swap3A_1255, %swap3A_1256] : memref<64x28800xf32, #tpu.memory_space<vmem>>, vector<64x112xf32>
    tpu.vector_store %arg3[%swap3A_1255, %swap3A_1256], %get3A_1254 {strides = array<i32>} : memref<64x28800xf32, #tpu.memory_space<vmem>>, vector<64x112xf32>,
    %swap3A_1258 = arith.constant 0 : index
    %swap3A_1259 = arith.constant 20128 : index
    %swap3A_1260 = vector.load %arg3[%swap3A_1258, %swap3A_1259] : memref<64x28800xf32, #tpu.memory_space<vmem>>, vector<64x32xf32>
    tpu.vector_store %arg3[%swap3A_1258, %swap3A_1259], %get3A_1 {strides = array<i32>} : memref<64x28800xf32, #tpu.memory_space<vmem>>, vector<64x32xf32>,
    %get3A_1261 = arith.constant 0 : index
    %get3A_1262 = arith.constant 15680 : index
    %get3A_1263 = vector.load %arg1[%get3A_1261, %get3A_1262] : memref<64x22400xf32, #tpu.memory_space<vmem>>, vector<64x112xf32>
    %swap3A_1264 = arith.constant 0 : index
    %swap3A_1265 = arith.constant 20160 : index
    %swap3A_1266 = vector.load %arg3[%swap3A_1264, %swap3A_1265] : memref<64x28800xf32, #tpu.memory_space<vmem>>, vector<64x112xf32>
    tpu.vector_store %arg3[%swap3A_1264, %swap3A_1265], %get3A_1263 {strides = array<i32>} : memref<64x28800xf32, #tpu.memory_space<vmem>>, vector<64x112xf32>,
    %swap3A_1267 = arith.constant 0 : index
    %swap3A_1268 = arith.constant 20272 : index
    %swap3A_1269 = vector.load %arg3[%swap3A_1267, %swap3A_1268] : memref<64x28800xf32, #tpu.memory_space<vmem>>, vector<64x32xf32>
    tpu.vector_store %arg3[%swap3A_1267, %swap3A_1268], %get3A_1 {strides = array<i32>} : memref<64x28800xf32, #tpu.memory_space<vmem>>, vector<64x32xf32>,
    %get3A_1270 = arith.constant 0 : index
    %get3A_1271 = arith.constant 15792 : index
    %get3A_1272 = vector.load %arg1[%get3A_1270, %get3A_1271] : memref<64x22400xf32, #tpu.memory_space<vmem>>, vector<64x112xf32>
    %swap3A_1273 = arith.constant 0 : index
    %swap3A_1274 = arith.constant 20304 : index
    %swap3A_1275 = vector.load %arg3[%swap3A_1273, %swap3A_1274] : memref<64x28800xf32, #tpu.memory_space<vmem>>, vector<64x112xf32>
    tpu.vector_store %arg3[%swap3A_1273, %swap3A_1274], %get3A_1272 {strides = array<i32>} : memref<64x28800xf32, #tpu.memory_space<vmem>>, vector<64x112xf32>,
    %swap3A_1276 = arith.constant 0 : index
    %swap3A_1277 = arith.constant 20416 : index
    %swap3A_1278 = vector.load %arg3[%swap3A_1276, %swap3A_1277] : memref<64x28800xf32, #tpu.memory_space<vmem>>, vector<64x32xf32>
    tpu.vector_store %arg3[%swap3A_1276, %swap3A_1277], %get3A_1 {strides = array<i32>} : memref<64x28800xf32, #tpu.memory_space<vmem>>, vector<64x32xf32>,
    %get3A_1279 = arith.constant 0 : index
    %get3A_1280 = arith.constant 15904 : index
    %get3A_1281 = vector.load %arg1[%get3A_1279, %get3A_1280] : memref<64x22400xf32, #tpu.memory_space<vmem>>, vector<64x112xf32>
    %swap3A_1282 = arith.constant 0 : index
    %swap3A_1283 = arith.constant 20448 : index
    %swap3A_1284 = vector.load %arg3[%swap3A_1282, %swap3A_1283] : memref<64x28800xf32, #tpu.memory_space<vmem>>, vector<64x112xf32>
    tpu.vector_store %arg3[%swap3A_1282, %swap3A_1283], %get3A_1281 {strides = array<i32>} : memref<64x28800xf32, #tpu.memory_space<vmem>>, vector<64x112xf32>,
    %swap3A_1285 = arith.constant 0 : index
    %swap3A_1286 = arith.constant 20560 : index
    %swap3A_1287 = vector.load %arg3[%swap3A_1285, %swap3A_1286] : memref<64x28800xf32, #tpu.memory_space<vmem>>, vector<64x32xf32>
    tpu.vector_store %arg3[%swap3A_1285, %swap3A_1286], %get3A_1 {strides = array<i32>} : memref<64x28800xf32, #tpu.memory_space<vmem>>, vector<64x32xf32>,
    %get3A_1288 = arith.constant 0 : index
    %get3A_1289 = arith.constant 16016 : index
    %get3A_1290 = vector.load %arg1[%get3A_1288, %get3A_1289] : memref<64x22400xf32, #tpu.memory_space<vmem>>, vector<64x112xf32>
    %swap3A_1291 = arith.constant 0 : index
    %swap3A_1292 = arith.constant 20592 : index
    %swap3A_1293 = vector.load %arg3[%swap3A_1291, %swap3A_1292] : memref<64x28800xf32, #tpu.memory_space<vmem>>, vector<64x112xf32>
    tpu.vector_store %arg3[%swap3A_1291, %swap3A_1292], %get3A_1290 {strides = array<i32>} : memref<64x28800xf32, #tpu.memory_space<vmem>>, vector<64x112xf32>,
    %swap3A_1294 = arith.constant 0 : index
    %swap3A_1295 = arith.constant 20704 : index
    %swap3A_1296 = vector.load %arg3[%swap3A_1294, %swap3A_1295] : memref<64x28800xf32, #tpu.memory_space<vmem>>, vector<64x32xf32>
    tpu.vector_store %arg3[%swap3A_1294, %swap3A_1295], %get3A_1 {strides = array<i32>} : memref<64x28800xf32, #tpu.memory_space<vmem>>, vector<64x32xf32>,
    %get3A_1297 = arith.constant 0 : index
    %get3A_1298 = arith.constant 16128 : index
    %get3A_1299 = vector.load %arg1[%get3A_1297, %get3A_1298] : memref<64x22400xf32, #tpu.memory_space<vmem>>, vector<64x112xf32>
    %swap3A_1300 = arith.constant 0 : index
    %swap3A_1301 = arith.constant 20736 : index
    %swap3A_1302 = vector.load %arg3[%swap3A_1300, %swap3A_1301] : memref<64x28800xf32, #tpu.memory_space<vmem>>, vector<64x112xf32>
    tpu.vector_store %arg3[%swap3A_1300, %swap3A_1301], %get3A_1299 {strides = array<i32>} : memref<64x28800xf32, #tpu.memory_space<vmem>>, vector<64x112xf32>,
    %swap3A_1303 = arith.constant 0 : index
    %swap3A_1304 = arith.constant 20848 : index
    %swap3A_1305 = vector.load %arg3[%swap3A_1303, %swap3A_1304] : memref<64x28800xf32, #tpu.memory_space<vmem>>, vector<64x32xf32>
    tpu.vector_store %arg3[%swap3A_1303, %swap3A_1304], %get3A_1 {strides = array<i32>} : memref<64x28800xf32, #tpu.memory_space<vmem>>, vector<64x32xf32>,
    %get3A_1306 = arith.constant 0 : index
    %get3A_1307 = arith.constant 16240 : index
    %get3A_1308 = vector.load %arg1[%get3A_1306, %get3A_1307] : memref<64x22400xf32, #tpu.memory_space<vmem>>, vector<64x112xf32>
    %swap3A_1309 = arith.constant 0 : index
    %swap3A_1310 = arith.constant 20880 : index
    %swap3A_1311 = vector.load %arg3[%swap3A_1309, %swap3A_1310] : memref<64x28800xf32, #tpu.memory_space<vmem>>, vector<64x112xf32>
    tpu.vector_store %arg3[%swap3A_1309, %swap3A_1310], %get3A_1308 {strides = array<i32>} : memref<64x28800xf32, #tpu.memory_space<vmem>>, vector<64x112xf32>,
    %swap3A_1312 = arith.constant 0 : index
    %swap3A_1313 = arith.constant 20992 : index
    %swap3A_1314 = vector.load %arg3[%swap3A_1312, %swap3A_1313] : memref<64x28800xf32, #tpu.memory_space<vmem>>, vector<64x32xf32>
    tpu.vector_store %arg3[%swap3A_1312, %swap3A_1313], %get3A_1 {strides = array<i32>} : memref<64x28800xf32, #tpu.memory_space<vmem>>, vector<64x32xf32>,
    %get3A_1315 = arith.constant 0 : index
    %get3A_1316 = arith.constant 16352 : index
    %get3A_1317 = vector.load %arg1[%get3A_1315, %get3A_1316] : memref<64x22400xf32, #tpu.memory_space<vmem>>, vector<64x112xf32>
    %swap3A_1318 = arith.constant 0 : index
    %swap3A_1319 = arith.constant 21024 : index
    %swap3A_1320 = vector.load %arg3[%swap3A_1318, %swap3A_1319] : memref<64x28800xf32, #tpu.memory_space<vmem>>, vector<64x112xf32>
    tpu.vector_store %arg3[%swap3A_1318, %swap3A_1319], %get3A_1317 {strides = array<i32>} : memref<64x28800xf32, #tpu.memory_space<vmem>>, vector<64x112xf32>,
    %swap3A_1321 = arith.constant 0 : index
    %swap3A_1322 = arith.constant 21136 : index
    %swap3A_1323 = vector.load %arg3[%swap3A_1321, %swap3A_1322] : memref<64x28800xf32, #tpu.memory_space<vmem>>, vector<64x32xf32>
    tpu.vector_store %arg3[%swap3A_1321, %swap3A_1322], %get3A_1 {strides = array<i32>} : memref<64x28800xf32, #tpu.memory_space<vmem>>, vector<64x32xf32>,
    %get3A_1324 = arith.constant 0 : index
    %get3A_1325 = arith.constant 16464 : index
    %get3A_1326 = vector.load %arg1[%get3A_1324, %get3A_1325] : memref<64x22400xf32, #tpu.memory_space<vmem>>, vector<64x112xf32>
    %swap3A_1327 = arith.constant 0 : index
    %swap3A_1328 = arith.constant 21168 : index
    %swap3A_1329 = vector.load %arg3[%swap3A_1327, %swap3A_1328] : memref<64x28800xf32, #tpu.memory_space<vmem>>, vector<64x112xf32>
    tpu.vector_store %arg3[%swap3A_1327, %swap3A_1328], %get3A_1326 {strides = array<i32>} : memref<64x28800xf32, #tpu.memory_space<vmem>>, vector<64x112xf32>,
    %swap3A_1330 = arith.constant 0 : index
    %swap3A_1331 = arith.constant 21280 : index
    %swap3A_1332 = vector.load %arg3[%swap3A_1330, %swap3A_1331] : memref<64x28800xf32, #tpu.memory_space<vmem>>, vector<64x32xf32>
    tpu.vector_store %arg3[%swap3A_1330, %swap3A_1331], %get3A_1 {strides = array<i32>} : memref<64x28800xf32, #tpu.memory_space<vmem>>, vector<64x32xf32>,
    %get3A_1333 = arith.constant 0 : index
    %get3A_1334 = arith.constant 16576 : index
    %get3A_1335 = vector.load %arg1[%get3A_1333, %get3A_1334] : memref<64x22400xf32, #tpu.memory_space<vmem>>, vector<64x112xf32>
    %swap3A_1336 = arith.constant 0 : index
    %swap3A_1337 = arith.constant 21312 : index
    %swap3A_1338 = vector.load %arg3[%swap3A_1336, %swap3A_1337] : memref<64x28800xf32, #tpu.memory_space<vmem>>, vector<64x112xf32>
    tpu.vector_store %arg3[%swap3A_1336, %swap3A_1337], %get3A_1335 {strides = array<i32>} : memref<64x28800xf32, #tpu.memory_space<vmem>>, vector<64x112xf32>,
    %swap3A_1339 = arith.constant 0 : index
    %swap3A_1340 = arith.constant 21424 : index
    %swap3A_1341 = vector.load %arg3[%swap3A_1339, %swap3A_1340] : memref<64x28800xf32, #tpu.memory_space<vmem>>, vector<64x32xf32>
    tpu.vector_store %arg3[%swap3A_1339, %swap3A_1340], %get3A_1 {strides = array<i32>} : memref<64x28800xf32, #tpu.memory_space<vmem>>, vector<64x32xf32>,
    %get3A_1342 = arith.constant 0 : index
    %get3A_1343 = arith.constant 16688 : index
    %get3A_1344 = vector.load %arg1[%get3A_1342, %get3A_1343] : memref<64x22400xf32, #tpu.memory_space<vmem>>, vector<64x112xf32>
    %swap3A_1345 = arith.constant 0 : index
    %swap3A_1346 = arith.constant 21456 : index
    %swap3A_1347 = vector.load %arg3[%swap3A_1345, %swap3A_1346] : memref<64x28800xf32, #tpu.memory_space<vmem>>, vector<64x112xf32>
    tpu.vector_store %arg3[%swap3A_1345, %swap3A_1346], %get3A_1344 {strides = array<i32>} : memref<64x28800xf32, #tpu.memory_space<vmem>>, vector<64x112xf32>,
    %swap3A_1348 = arith.constant 0 : index
    %swap3A_1349 = arith.constant 21568 : index
    %swap3A_1350 = vector.load %arg3[%swap3A_1348, %swap3A_1349] : memref<64x28800xf32, #tpu.memory_space<vmem>>, vector<64x32xf32>
    tpu.vector_store %arg3[%swap3A_1348, %swap3A_1349], %get3A_1 {strides = array<i32>} : memref<64x28800xf32, #tpu.memory_space<vmem>>, vector<64x32xf32>,
    %get3A_1351 = arith.constant 0 : index
    %get3A_1352 = arith.constant 16800 : index
    %get3A_1353 = vector.load %arg1[%get3A_1351, %get3A_1352] : memref<64x22400xf32, #tpu.memory_space<vmem>>, vector<64x112xf32>
    %swap3A_1354 = arith.constant 0 : index
    %swap3A_1355 = arith.constant 21600 : index
    %swap3A_1356 = vector.load %arg3[%swap3A_1354, %swap3A_1355] : memref<64x28800xf32, #tpu.memory_space<vmem>>, vector<64x112xf32>
    tpu.vector_store %arg3[%swap3A_1354, %swap3A_1355], %get3A_1353 {strides = array<i32>} : memref<64x28800xf32, #tpu.memory_space<vmem>>, vector<64x112xf32>,
    %swap3A_1357 = arith.constant 0 : index
    %swap3A_1358 = arith.constant 21712 : index
    %swap3A_1359 = vector.load %arg3[%swap3A_1357, %swap3A_1358] : memref<64x28800xf32, #tpu.memory_space<vmem>>, vector<64x32xf32>
    tpu.vector_store %arg3[%swap3A_1357, %swap3A_1358], %get3A_1 {strides = array<i32>} : memref<64x28800xf32, #tpu.memory_space<vmem>>, vector<64x32xf32>,
    %get3A_1360 = arith.constant 0 : index
    %get3A_1361 = arith.constant 16912 : index
    %get3A_1362 = vector.load %arg1[%get3A_1360, %get3A_1361] : memref<64x22400xf32, #tpu.memory_space<vmem>>, vector<64x112xf32>
    %swap3A_1363 = arith.constant 0 : index
    %swap3A_1364 = arith.constant 21744 : index
    %swap3A_1365 = vector.load %arg3[%swap3A_1363, %swap3A_1364] : memref<64x28800xf32, #tpu.memory_space<vmem>>, vector<64x112xf32>
    tpu.vector_store %arg3[%swap3A_1363, %swap3A_1364], %get3A_1362 {strides = array<i32>} : memref<64x28800xf32, #tpu.memory_space<vmem>>, vector<64x112xf32>,
    %swap3A_1366 = arith.constant 0 : index
    %swap3A_1367 = arith.constant 21856 : index
    %swap3A_1368 = vector.load %arg3[%swap3A_1366, %swap3A_1367] : memref<64x28800xf32, #tpu.memory_space<vmem>>, vector<64x32xf32>
    tpu.vector_store %arg3[%swap3A_1366, %swap3A_1367], %get3A_1 {strides = array<i32>} : memref<64x28800xf32, #tpu.memory_space<vmem>>, vector<64x32xf32>,
    %get3A_1369 = arith.constant 0 : index
    %get3A_1370 = arith.constant 17024 : index
    %get3A_1371 = vector.load %arg1[%get3A_1369, %get3A_1370] : memref<64x22400xf32, #tpu.memory_space<vmem>>, vector<64x112xf32>
    %swap3A_1372 = arith.constant 0 : index
    %swap3A_1373 = arith.constant 21888 : index
    %swap3A_1374 = vector.load %arg3[%swap3A_1372, %swap3A_1373] : memref<64x28800xf32, #tpu.memory_space<vmem>>, vector<64x112xf32>
    tpu.vector_store %arg3[%swap3A_1372, %swap3A_1373], %get3A_1371 {strides = array<i32>} : memref<64x28800xf32, #tpu.memory_space<vmem>>, vector<64x112xf32>,
    %swap3A_1375 = arith.constant 0 : index
    %swap3A_1376 = arith.constant 22000 : index
    %swap3A_1377 = vector.load %arg3[%swap3A_1375, %swap3A_1376] : memref<64x28800xf32, #tpu.memory_space<vmem>>, vector<64x32xf32>
    tpu.vector_store %arg3[%swap3A_1375, %swap3A_1376], %get3A_1 {strides = array<i32>} : memref<64x28800xf32, #tpu.memory_space<vmem>>, vector<64x32xf32>,
    %get3A_1378 = arith.constant 0 : index
    %get3A_1379 = arith.constant 17136 : index
    %get3A_1380 = vector.load %arg1[%get3A_1378, %get3A_1379] : memref<64x22400xf32, #tpu.memory_space<vmem>>, vector<64x112xf32>
    %swap3A_1381 = arith.constant 0 : index
    %swap3A_1382 = arith.constant 22032 : index
    %swap3A_1383 = vector.load %arg3[%swap3A_1381, %swap3A_1382] : memref<64x28800xf32, #tpu.memory_space<vmem>>, vector<64x112xf32>
    tpu.vector_store %arg3[%swap3A_1381, %swap3A_1382], %get3A_1380 {strides = array<i32>} : memref<64x28800xf32, #tpu.memory_space<vmem>>, vector<64x112xf32>,
    %swap3A_1384 = arith.constant 0 : index
    %swap3A_1385 = arith.constant 22144 : index
    %swap3A_1386 = vector.load %arg3[%swap3A_1384, %swap3A_1385] : memref<64x28800xf32, #tpu.memory_space<vmem>>, vector<64x32xf32>
    tpu.vector_store %arg3[%swap3A_1384, %swap3A_1385], %get3A_1 {strides = array<i32>} : memref<64x28800xf32, #tpu.memory_space<vmem>>, vector<64x32xf32>,
    %get3A_1387 = arith.constant 0 : index
    %get3A_1388 = arith.constant 17248 : index
    %get3A_1389 = vector.load %arg1[%get3A_1387, %get3A_1388] : memref<64x22400xf32, #tpu.memory_space<vmem>>, vector<64x112xf32>
    %swap3A_1390 = arith.constant 0 : index
    %swap3A_1391 = arith.constant 22176 : index
    %swap3A_1392 = vector.load %arg3[%swap3A_1390, %swap3A_1391] : memref<64x28800xf32, #tpu.memory_space<vmem>>, vector<64x112xf32>
    tpu.vector_store %arg3[%swap3A_1390, %swap3A_1391], %get3A_1389 {strides = array<i32>} : memref<64x28800xf32, #tpu.memory_space<vmem>>, vector<64x112xf32>,
    %swap3A_1393 = arith.constant 0 : index
    %swap3A_1394 = arith.constant 22288 : index
    %swap3A_1395 = vector.load %arg3[%swap3A_1393, %swap3A_1394] : memref<64x28800xf32, #tpu.memory_space<vmem>>, vector<64x32xf32>
    tpu.vector_store %arg3[%swap3A_1393, %swap3A_1394], %get3A_1 {strides = array<i32>} : memref<64x28800xf32, #tpu.memory_space<vmem>>, vector<64x32xf32>,
    %get3A_1396 = arith.constant 0 : index
    %get3A_1397 = arith.constant 17360 : index
    %get3A_1398 = vector.load %arg1[%get3A_1396, %get3A_1397] : memref<64x22400xf32, #tpu.memory_space<vmem>>, vector<64x112xf32>
    %swap3A_1399 = arith.constant 0 : index
    %swap3A_1400 = arith.constant 22320 : index
    %swap3A_1401 = vector.load %arg3[%swap3A_1399, %swap3A_1400] : memref<64x28800xf32, #tpu.memory_space<vmem>>, vector<64x112xf32>
    tpu.vector_store %arg3[%swap3A_1399, %swap3A_1400], %get3A_1398 {strides = array<i32>} : memref<64x28800xf32, #tpu.memory_space<vmem>>, vector<64x112xf32>,
    %swap3A_1402 = arith.constant 0 : index
    %swap3A_1403 = arith.constant 22432 : index
    %swap3A_1404 = vector.load %arg3[%swap3A_1402, %swap3A_1403] : memref<64x28800xf32, #tpu.memory_space<vmem>>, vector<64x32xf32>
    tpu.vector_store %arg3[%swap3A_1402, %swap3A_1403], %get3A_1 {strides = array<i32>} : memref<64x28800xf32, #tpu.memory_space<vmem>>, vector<64x32xf32>,
    %get3A_1405 = arith.constant 0 : index
    %get3A_1406 = arith.constant 17472 : index
    %get3A_1407 = vector.load %arg1[%get3A_1405, %get3A_1406] : memref<64x22400xf32, #tpu.memory_space<vmem>>, vector<64x112xf32>
    %swap3A_1408 = arith.constant 0 : index
    %swap3A_1409 = arith.constant 22464 : index
    %swap3A_1410 = vector.load %arg3[%swap3A_1408, %swap3A_1409] : memref<64x28800xf32, #tpu.memory_space<vmem>>, vector<64x112xf32>
    tpu.vector_store %arg3[%swap3A_1408, %swap3A_1409], %get3A_1407 {strides = array<i32>} : memref<64x28800xf32, #tpu.memory_space<vmem>>, vector<64x112xf32>,
    %swap3A_1411 = arith.constant 0 : index
    %swap3A_1412 = arith.constant 22576 : index
    %swap3A_1413 = vector.load %arg3[%swap3A_1411, %swap3A_1412] : memref<64x28800xf32, #tpu.memory_space<vmem>>, vector<64x32xf32>
    tpu.vector_store %arg3[%swap3A_1411, %swap3A_1412], %get3A_1 {strides = array<i32>} : memref<64x28800xf32, #tpu.memory_space<vmem>>, vector<64x32xf32>,
    %get3A_1414 = arith.constant 0 : index
    %get3A_1415 = arith.constant 17584 : index
    %get3A_1416 = vector.load %arg1[%get3A_1414, %get3A_1415] : memref<64x22400xf32, #tpu.memory_space<vmem>>, vector<64x112xf32>
    %swap3A_1417 = arith.constant 0 : index
    %swap3A_1418 = arith.constant 22608 : index
    %swap3A_1419 = vector.load %arg3[%swap3A_1417, %swap3A_1418] : memref<64x28800xf32, #tpu.memory_space<vmem>>, vector<64x112xf32>
    tpu.vector_store %arg3[%swap3A_1417, %swap3A_1418], %get3A_1416 {strides = array<i32>} : memref<64x28800xf32, #tpu.memory_space<vmem>>, vector<64x112xf32>,
    %swap3A_1420 = arith.constant 0 : index
    %swap3A_1421 = arith.constant 22720 : index
    %swap3A_1422 = vector.load %arg3[%swap3A_1420, %swap3A_1421] : memref<64x28800xf32, #tpu.memory_space<vmem>>, vector<64x32xf32>
    tpu.vector_store %arg3[%swap3A_1420, %swap3A_1421], %get3A_1 {strides = array<i32>} : memref<64x28800xf32, #tpu.memory_space<vmem>>, vector<64x32xf32>,
    %get3A_1423 = arith.constant 0 : index
    %get3A_1424 = arith.constant 17696 : index
    %get3A_1425 = vector.load %arg1[%get3A_1423, %get3A_1424] : memref<64x22400xf32, #tpu.memory_space<vmem>>, vector<64x112xf32>
    %swap3A_1426 = arith.constant 0 : index
    %swap3A_1427 = arith.constant 22752 : index
    %swap3A_1428 = vector.load %arg3[%swap3A_1426, %swap3A_1427] : memref<64x28800xf32, #tpu.memory_space<vmem>>, vector<64x112xf32>
    tpu.vector_store %arg3[%swap3A_1426, %swap3A_1427], %get3A_1425 {strides = array<i32>} : memref<64x28800xf32, #tpu.memory_space<vmem>>, vector<64x112xf32>,
    %swap3A_1429 = arith.constant 0 : index
    %swap3A_1430 = arith.constant 22864 : index
    %swap3A_1431 = vector.load %arg3[%swap3A_1429, %swap3A_1430] : memref<64x28800xf32, #tpu.memory_space<vmem>>, vector<64x32xf32>
    tpu.vector_store %arg3[%swap3A_1429, %swap3A_1430], %get3A_1 {strides = array<i32>} : memref<64x28800xf32, #tpu.memory_space<vmem>>, vector<64x32xf32>,
    %get3A_1432 = arith.constant 0 : index
    %get3A_1433 = arith.constant 17808 : index
    %get3A_1434 = vector.load %arg1[%get3A_1432, %get3A_1433] : memref<64x22400xf32, #tpu.memory_space<vmem>>, vector<64x112xf32>
    %swap3A_1435 = arith.constant 0 : index
    %swap3A_1436 = arith.constant 22896 : index
    %swap3A_1437 = vector.load %arg3[%swap3A_1435, %swap3A_1436] : memref<64x28800xf32, #tpu.memory_space<vmem>>, vector<64x112xf32>
    tpu.vector_store %arg3[%swap3A_1435, %swap3A_1436], %get3A_1434 {strides = array<i32>} : memref<64x28800xf32, #tpu.memory_space<vmem>>, vector<64x112xf32>,
    %swap3A_1438 = arith.constant 0 : index
    %swap3A_1439 = arith.constant 23008 : index
    %swap3A_1440 = vector.load %arg3[%swap3A_1438, %swap3A_1439] : memref<64x28800xf32, #tpu.memory_space<vmem>>, vector<64x32xf32>
    tpu.vector_store %arg3[%swap3A_1438, %swap3A_1439], %get3A_1 {strides = array<i32>} : memref<64x28800xf32, #tpu.memory_space<vmem>>, vector<64x32xf32>,
    %get3A_1441 = arith.constant 0 : index
    %get3A_1442 = arith.constant 17920 : index
    %get3A_1443 = vector.load %arg1[%get3A_1441, %get3A_1442] : memref<64x22400xf32, #tpu.memory_space<vmem>>, vector<64x112xf32>
    %swap3A_1444 = arith.constant 0 : index
    %swap3A_1445 = arith.constant 23040 : index
    %swap3A_1446 = vector.load %arg3[%swap3A_1444, %swap3A_1445] : memref<64x28800xf32, #tpu.memory_space<vmem>>, vector<64x112xf32>
    tpu.vector_store %arg3[%swap3A_1444, %swap3A_1445], %get3A_1443 {strides = array<i32>} : memref<64x28800xf32, #tpu.memory_space<vmem>>, vector<64x112xf32>,
    %swap3A_1447 = arith.constant 0 : index
    %swap3A_1448 = arith.constant 23152 : index
    %swap3A_1449 = vector.load %arg3[%swap3A_1447, %swap3A_1448] : memref<64x28800xf32, #tpu.memory_space<vmem>>, vector<64x32xf32>
    tpu.vector_store %arg3[%swap3A_1447, %swap3A_1448], %get3A_1 {strides = array<i32>} : memref<64x28800xf32, #tpu.memory_space<vmem>>, vector<64x32xf32>,
    %get3A_1450 = arith.constant 0 : index
    %get3A_1451 = arith.constant 18032 : index
    %get3A_1452 = vector.load %arg1[%get3A_1450, %get3A_1451] : memref<64x22400xf32, #tpu.memory_space<vmem>>, vector<64x112xf32>
    %swap3A_1453 = arith.constant 0 : index
    %swap3A_1454 = arith.constant 23184 : index
    %swap3A_1455 = vector.load %arg3[%swap3A_1453, %swap3A_1454] : memref<64x28800xf32, #tpu.memory_space<vmem>>, vector<64x112xf32>
    tpu.vector_store %arg3[%swap3A_1453, %swap3A_1454], %get3A_1452 {strides = array<i32>} : memref<64x28800xf32, #tpu.memory_space<vmem>>, vector<64x112xf32>,
    %swap3A_1456 = arith.constant 0 : index
    %swap3A_1457 = arith.constant 23296 : index
    %swap3A_1458 = vector.load %arg3[%swap3A_1456, %swap3A_1457] : memref<64x28800xf32, #tpu.memory_space<vmem>>, vector<64x32xf32>
    tpu.vector_store %arg3[%swap3A_1456, %swap3A_1457], %get3A_1 {strides = array<i32>} : memref<64x28800xf32, #tpu.memory_space<vmem>>, vector<64x32xf32>,
    %get3A_1459 = arith.constant 0 : index
    %get3A_1460 = arith.constant 18144 : index
    %get3A_1461 = vector.load %arg1[%get3A_1459, %get3A_1460] : memref<64x22400xf32, #tpu.memory_space<vmem>>, vector<64x112xf32>
    %swap3A_1462 = arith.constant 0 : index
    %swap3A_1463 = arith.constant 23328 : index
    %swap3A_1464 = vector.load %arg3[%swap3A_1462, %swap3A_1463] : memref<64x28800xf32, #tpu.memory_space<vmem>>, vector<64x112xf32>
    tpu.vector_store %arg3[%swap3A_1462, %swap3A_1463], %get3A_1461 {strides = array<i32>} : memref<64x28800xf32, #tpu.memory_space<vmem>>, vector<64x112xf32>,
    %swap3A_1465 = arith.constant 0 : index
    %swap3A_1466 = arith.constant 23440 : index
    %swap3A_1467 = vector.load %arg3[%swap3A_1465, %swap3A_1466] : memref<64x28800xf32, #tpu.memory_space<vmem>>, vector<64x32xf32>
    tpu.vector_store %arg3[%swap3A_1465, %swap3A_1466], %get3A_1 {strides = array<i32>} : memref<64x28800xf32, #tpu.memory_space<vmem>>, vector<64x32xf32>,
    %get3A_1468 = arith.constant 0 : index
    %get3A_1469 = arith.constant 18256 : index
    %get3A_1470 = vector.load %arg1[%get3A_1468, %get3A_1469] : memref<64x22400xf32, #tpu.memory_space<vmem>>, vector<64x112xf32>
    %swap3A_1471 = arith.constant 0 : index
    %swap3A_1472 = arith.constant 23472 : index
    %swap3A_1473 = vector.load %arg3[%swap3A_1471, %swap3A_1472] : memref<64x28800xf32, #tpu.memory_space<vmem>>, vector<64x112xf32>
    tpu.vector_store %arg3[%swap3A_1471, %swap3A_1472], %get3A_1470 {strides = array<i32>} : memref<64x28800xf32, #tpu.memory_space<vmem>>, vector<64x112xf32>,
    %swap3A_1474 = arith.constant 0 : index
    %swap3A_1475 = arith.constant 23584 : index
    %swap3A_1476 = vector.load %arg3[%swap3A_1474, %swap3A_1475] : memref<64x28800xf32, #tpu.memory_space<vmem>>, vector<64x32xf32>
    tpu.vector_store %arg3[%swap3A_1474, %swap3A_1475], %get3A_1 {strides = array<i32>} : memref<64x28800xf32, #tpu.memory_space<vmem>>, vector<64x32xf32>,
    %get3A_1477 = arith.constant 0 : index
    %get3A_1478 = arith.constant 18368 : index
    %get3A_1479 = vector.load %arg1[%get3A_1477, %get3A_1478] : memref<64x22400xf32, #tpu.memory_space<vmem>>, vector<64x112xf32>
    %swap3A_1480 = arith.constant 0 : index
    %swap3A_1481 = arith.constant 23616 : index
    %swap3A_1482 = vector.load %arg3[%swap3A_1480, %swap3A_1481] : memref<64x28800xf32, #tpu.memory_space<vmem>>, vector<64x112xf32>
    tpu.vector_store %arg3[%swap3A_1480, %swap3A_1481], %get3A_1479 {strides = array<i32>} : memref<64x28800xf32, #tpu.memory_space<vmem>>, vector<64x112xf32>,
    %swap3A_1483 = arith.constant 0 : index
    %swap3A_1484 = arith.constant 23728 : index
    %swap3A_1485 = vector.load %arg3[%swap3A_1483, %swap3A_1484] : memref<64x28800xf32, #tpu.memory_space<vmem>>, vector<64x32xf32>
    tpu.vector_store %arg3[%swap3A_1483, %swap3A_1484], %get3A_1 {strides = array<i32>} : memref<64x28800xf32, #tpu.memory_space<vmem>>, vector<64x32xf32>,
    %get3A_1486 = arith.constant 0 : index
    %get3A_1487 = arith.constant 18480 : index
    %get3A_1488 = vector.load %arg1[%get3A_1486, %get3A_1487] : memref<64x22400xf32, #tpu.memory_space<vmem>>, vector<64x112xf32>
    %swap3A_1489 = arith.constant 0 : index
    %swap3A_1490 = arith.constant 23760 : index
    %swap3A_1491 = vector.load %arg3[%swap3A_1489, %swap3A_1490] : memref<64x28800xf32, #tpu.memory_space<vmem>>, vector<64x112xf32>
    tpu.vector_store %arg3[%swap3A_1489, %swap3A_1490], %get3A_1488 {strides = array<i32>} : memref<64x28800xf32, #tpu.memory_space<vmem>>, vector<64x112xf32>,
    %swap3A_1492 = arith.constant 0 : index
    %swap3A_1493 = arith.constant 23872 : index
    %swap3A_1494 = vector.load %arg3[%swap3A_1492, %swap3A_1493] : memref<64x28800xf32, #tpu.memory_space<vmem>>, vector<64x32xf32>
    tpu.vector_store %arg3[%swap3A_1492, %swap3A_1493], %get3A_1 {strides = array<i32>} : memref<64x28800xf32, #tpu.memory_space<vmem>>, vector<64x32xf32>,
    %get3A_1495 = arith.constant 0 : index
    %get3A_1496 = arith.constant 18592 : index
    %get3A_1497 = vector.load %arg1[%get3A_1495, %get3A_1496] : memref<64x22400xf32, #tpu.memory_space<vmem>>, vector<64x112xf32>
    %swap3A_1498 = arith.constant 0 : index
    %swap3A_1499 = arith.constant 23904 : index
    %swap3A_1500 = vector.load %arg3[%swap3A_1498, %swap3A_1499] : memref<64x28800xf32, #tpu.memory_space<vmem>>, vector<64x112xf32>
    tpu.vector_store %arg3[%swap3A_1498, %swap3A_1499], %get3A_1497 {strides = array<i32>} : memref<64x28800xf32, #tpu.memory_space<vmem>>, vector<64x112xf32>,
    %swap3A_1501 = arith.constant 0 : index
    %swap3A_1502 = arith.constant 24016 : index
    %swap3A_1503 = vector.load %arg3[%swap3A_1501, %swap3A_1502] : memref<64x28800xf32, #tpu.memory_space<vmem>>, vector<64x32xf32>
    tpu.vector_store %arg3[%swap3A_1501, %swap3A_1502], %get3A_1 {strides = array<i32>} : memref<64x28800xf32, #tpu.memory_space<vmem>>, vector<64x32xf32>,
    %get3A_1504 = arith.constant 0 : index
    %get3A_1505 = arith.constant 18704 : index
    %get3A_1506 = vector.load %arg1[%get3A_1504, %get3A_1505] : memref<64x22400xf32, #tpu.memory_space<vmem>>, vector<64x112xf32>
    %swap3A_1507 = arith.constant 0 : index
    %swap3A_1508 = arith.constant 24048 : index
    %swap3A_1509 = vector.load %arg3[%swap3A_1507, %swap3A_1508] : memref<64x28800xf32, #tpu.memory_space<vmem>>, vector<64x112xf32>
    tpu.vector_store %arg3[%swap3A_1507, %swap3A_1508], %get3A_1506 {strides = array<i32>} : memref<64x28800xf32, #tpu.memory_space<vmem>>, vector<64x112xf32>,
    %swap3A_1510 = arith.constant 0 : index
    %swap3A_1511 = arith.constant 24160 : index
    %swap3A_1512 = vector.load %arg3[%swap3A_1510, %swap3A_1511] : memref<64x28800xf32, #tpu.memory_space<vmem>>, vector<64x32xf32>
    tpu.vector_store %arg3[%swap3A_1510, %swap3A_1511], %get3A_1 {strides = array<i32>} : memref<64x28800xf32, #tpu.memory_space<vmem>>, vector<64x32xf32>,
    %get3A_1513 = arith.constant 0 : index
    %get3A_1514 = arith.constant 18816 : index
    %get3A_1515 = vector.load %arg1[%get3A_1513, %get3A_1514] : memref<64x22400xf32, #tpu.memory_space<vmem>>, vector<64x112xf32>
    %swap3A_1516 = arith.constant 0 : index
    %swap3A_1517 = arith.constant 24192 : index
    %swap3A_1518 = vector.load %arg3[%swap3A_1516, %swap3A_1517] : memref<64x28800xf32, #tpu.memory_space<vmem>>, vector<64x112xf32>
    tpu.vector_store %arg3[%swap3A_1516, %swap3A_1517], %get3A_1515 {strides = array<i32>} : memref<64x28800xf32, #tpu.memory_space<vmem>>, vector<64x112xf32>,
    %swap3A_1519 = arith.constant 0 : index
    %swap3A_1520 = arith.constant 24304 : index
    %swap3A_1521 = vector.load %arg3[%swap3A_1519, %swap3A_1520] : memref<64x28800xf32, #tpu.memory_space<vmem>>, vector<64x32xf32>
    tpu.vector_store %arg3[%swap3A_1519, %swap3A_1520], %get3A_1 {strides = array<i32>} : memref<64x28800xf32, #tpu.memory_space<vmem>>, vector<64x32xf32>,
    %get3A_1522 = arith.constant 0 : index
    %get3A_1523 = arith.constant 18928 : index
    %get3A_1524 = vector.load %arg1[%get3A_1522, %get3A_1523] : memref<64x22400xf32, #tpu.memory_space<vmem>>, vector<64x112xf32>
    %swap3A_1525 = arith.constant 0 : index
    %swap3A_1526 = arith.constant 24336 : index
    %swap3A_1527 = vector.load %arg3[%swap3A_1525, %swap3A_1526] : memref<64x28800xf32, #tpu.memory_space<vmem>>, vector<64x112xf32>
    tpu.vector_store %arg3[%swap3A_1525, %swap3A_1526], %get3A_1524 {strides = array<i32>} : memref<64x28800xf32, #tpu.memory_space<vmem>>, vector<64x112xf32>,
    %swap3A_1528 = arith.constant 0 : index
    %swap3A_1529 = arith.constant 24448 : index
    %swap3A_1530 = vector.load %arg3[%swap3A_1528, %swap3A_1529] : memref<64x28800xf32, #tpu.memory_space<vmem>>, vector<64x32xf32>
    tpu.vector_store %arg3[%swap3A_1528, %swap3A_1529], %get3A_1 {strides = array<i32>} : memref<64x28800xf32, #tpu.memory_space<vmem>>, vector<64x32xf32>,
    %get3A_1531 = arith.constant 0 : index
    %get3A_1532 = arith.constant 19040 : index
    %get3A_1533 = vector.load %arg1[%get3A_1531, %get3A_1532] : memref<64x22400xf32, #tpu.memory_space<vmem>>, vector<64x112xf32>
    %swap3A_1534 = arith.constant 0 : index
    %swap3A_1535 = arith.constant 24480 : index
    %swap3A_1536 = vector.load %arg3[%swap3A_1534, %swap3A_1535] : memref<64x28800xf32, #tpu.memory_space<vmem>>, vector<64x112xf32>
    tpu.vector_store %arg3[%swap3A_1534, %swap3A_1535], %get3A_1533 {strides = array<i32>} : memref<64x28800xf32, #tpu.memory_space<vmem>>, vector<64x112xf32>,
    %swap3A_1537 = arith.constant 0 : index
    %swap3A_1538 = arith.constant 24592 : index
    %swap3A_1539 = vector.load %arg3[%swap3A_1537, %swap3A_1538] : memref<64x28800xf32, #tpu.memory_space<vmem>>, vector<64x32xf32>
    tpu.vector_store %arg3[%swap3A_1537, %swap3A_1538], %get3A_1 {strides = array<i32>} : memref<64x28800xf32, #tpu.memory_space<vmem>>, vector<64x32xf32>,
    %get3A_1540 = arith.constant 0 : index
    %get3A_1541 = arith.constant 19152 : index
    %get3A_1542 = vector.load %arg1[%get3A_1540, %get3A_1541] : memref<64x22400xf32, #tpu.memory_space<vmem>>, vector<64x112xf32>
    %swap3A_1543 = arith.constant 0 : index
    %swap3A_1544 = arith.constant 24624 : index
    %swap3A_1545 = vector.load %arg3[%swap3A_1543, %swap3A_1544] : memref<64x28800xf32, #tpu.memory_space<vmem>>, vector<64x112xf32>
    tpu.vector_store %arg3[%swap3A_1543, %swap3A_1544], %get3A_1542 {strides = array<i32>} : memref<64x28800xf32, #tpu.memory_space<vmem>>, vector<64x112xf32>,
    %swap3A_1546 = arith.constant 0 : index
    %swap3A_1547 = arith.constant 24736 : index
    %swap3A_1548 = vector.load %arg3[%swap3A_1546, %swap3A_1547] : memref<64x28800xf32, #tpu.memory_space<vmem>>, vector<64x32xf32>
    tpu.vector_store %arg3[%swap3A_1546, %swap3A_1547], %get3A_1 {strides = array<i32>} : memref<64x28800xf32, #tpu.memory_space<vmem>>, vector<64x32xf32>,
    %get3A_1549 = arith.constant 0 : index
    %get3A_1550 = arith.constant 19264 : index
    %get3A_1551 = vector.load %arg1[%get3A_1549, %get3A_1550] : memref<64x22400xf32, #tpu.memory_space<vmem>>, vector<64x112xf32>
    %swap3A_1552 = arith.constant 0 : index
    %swap3A_1553 = arith.constant 24768 : index
    %swap3A_1554 = vector.load %arg3[%swap3A_1552, %swap3A_1553] : memref<64x28800xf32, #tpu.memory_space<vmem>>, vector<64x112xf32>
    tpu.vector_store %arg3[%swap3A_1552, %swap3A_1553], %get3A_1551 {strides = array<i32>} : memref<64x28800xf32, #tpu.memory_space<vmem>>, vector<64x112xf32>,
    %swap3A_1555 = arith.constant 0 : index
    %swap3A_1556 = arith.constant 24880 : index
    %swap3A_1557 = vector.load %arg3[%swap3A_1555, %swap3A_1556] : memref<64x28800xf32, #tpu.memory_space<vmem>>, vector<64x32xf32>
    tpu.vector_store %arg3[%swap3A_1555, %swap3A_1556], %get3A_1 {strides = array<i32>} : memref<64x28800xf32, #tpu.memory_space<vmem>>, vector<64x32xf32>,
    %get3A_1558 = arith.constant 0 : index
    %get3A_1559 = arith.constant 19376 : index
    %get3A_1560 = vector.load %arg1[%get3A_1558, %get3A_1559] : memref<64x22400xf32, #tpu.memory_space<vmem>>, vector<64x112xf32>
    %swap3A_1561 = arith.constant 0 : index
    %swap3A_1562 = arith.constant 24912 : index
    %swap3A_1563 = vector.load %arg3[%swap3A_1561, %swap3A_1562] : memref<64x28800xf32, #tpu.memory_space<vmem>>, vector<64x112xf32>
    tpu.vector_store %arg3[%swap3A_1561, %swap3A_1562], %get3A_1560 {strides = array<i32>} : memref<64x28800xf32, #tpu.memory_space<vmem>>, vector<64x112xf32>,
    %swap3A_1564 = arith.constant 0 : index
    %swap3A_1565 = arith.constant 25024 : index
    %swap3A_1566 = vector.load %arg3[%swap3A_1564, %swap3A_1565] : memref<64x28800xf32, #tpu.memory_space<vmem>>, vector<64x32xf32>
    tpu.vector_store %arg3[%swap3A_1564, %swap3A_1565], %get3A_1 {strides = array<i32>} : memref<64x28800xf32, #tpu.memory_space<vmem>>, vector<64x32xf32>,
    %get3A_1567 = arith.constant 0 : index
    %get3A_1568 = arith.constant 19488 : index
    %get3A_1569 = vector.load %arg1[%get3A_1567, %get3A_1568] : memref<64x22400xf32, #tpu.memory_space<vmem>>, vector<64x112xf32>
    %swap3A_1570 = arith.constant 0 : index
    %swap3A_1571 = arith.constant 25056 : index
    %swap3A_1572 = vector.load %arg3[%swap3A_1570, %swap3A_1571] : memref<64x28800xf32, #tpu.memory_space<vmem>>, vector<64x112xf32>
    tpu.vector_store %arg3[%swap3A_1570, %swap3A_1571], %get3A_1569 {strides = array<i32>} : memref<64x28800xf32, #tpu.memory_space<vmem>>, vector<64x112xf32>,
    %swap3A_1573 = arith.constant 0 : index
    %swap3A_1574 = arith.constant 25168 : index
    %swap3A_1575 = vector.load %arg3[%swap3A_1573, %swap3A_1574] : memref<64x28800xf32, #tpu.memory_space<vmem>>, vector<64x32xf32>
    tpu.vector_store %arg3[%swap3A_1573, %swap3A_1574], %get3A_1 {strides = array<i32>} : memref<64x28800xf32, #tpu.memory_space<vmem>>, vector<64x32xf32>,
    %get3A_1576 = arith.constant 0 : index
    %get3A_1577 = arith.constant 19600 : index
    %get3A_1578 = vector.load %arg1[%get3A_1576, %get3A_1577] : memref<64x22400xf32, #tpu.memory_space<vmem>>, vector<64x112xf32>
    %swap3A_1579 = arith.constant 0 : index
    %swap3A_1580 = arith.constant 25200 : index
    %swap3A_1581 = vector.load %arg3[%swap3A_1579, %swap3A_1580] : memref<64x28800xf32, #tpu.memory_space<vmem>>, vector<64x112xf32>
    tpu.vector_store %arg3[%swap3A_1579, %swap3A_1580], %get3A_1578 {strides = array<i32>} : memref<64x28800xf32, #tpu.memory_space<vmem>>, vector<64x112xf32>,
    %swap3A_1582 = arith.constant 0 : index
    %swap3A_1583 = arith.constant 25312 : index
    %swap3A_1584 = vector.load %arg3[%swap3A_1582, %swap3A_1583] : memref<64x28800xf32, #tpu.memory_space<vmem>>, vector<64x32xf32>
    tpu.vector_store %arg3[%swap3A_1582, %swap3A_1583], %get3A_1 {strides = array<i32>} : memref<64x28800xf32, #tpu.memory_space<vmem>>, vector<64x32xf32>,
    %get3A_1585 = arith.constant 0 : index
    %get3A_1586 = arith.constant 19712 : index
    %get3A_1587 = vector.load %arg1[%get3A_1585, %get3A_1586] : memref<64x22400xf32, #tpu.memory_space<vmem>>, vector<64x112xf32>
    %swap3A_1588 = arith.constant 0 : index
    %swap3A_1589 = arith.constant 25344 : index
    %swap3A_1590 = vector.load %arg3[%swap3A_1588, %swap3A_1589] : memref<64x28800xf32, #tpu.memory_space<vmem>>, vector<64x112xf32>
    tpu.vector_store %arg3[%swap3A_1588, %swap3A_1589], %get3A_1587 {strides = array<i32>} : memref<64x28800xf32, #tpu.memory_space<vmem>>, vector<64x112xf32>,
    %swap3A_1591 = arith.constant 0 : index
    %swap3A_1592 = arith.constant 25456 : index
    %swap3A_1593 = vector.load %arg3[%swap3A_1591, %swap3A_1592] : memref<64x28800xf32, #tpu.memory_space<vmem>>, vector<64x32xf32>
    tpu.vector_store %arg3[%swap3A_1591, %swap3A_1592], %get3A_1 {strides = array<i32>} : memref<64x28800xf32, #tpu.memory_space<vmem>>, vector<64x32xf32>,
    %get3A_1594 = arith.constant 0 : index
    %get3A_1595 = arith.constant 19824 : index
    %get3A_1596 = vector.load %arg1[%get3A_1594, %get3A_1595] : memref<64x22400xf32, #tpu.memory_space<vmem>>, vector<64x112xf32>
    %swap3A_1597 = arith.constant 0 : index
    %swap3A_1598 = arith.constant 25488 : index
    %swap3A_1599 = vector.load %arg3[%swap3A_1597, %swap3A_1598] : memref<64x28800xf32, #tpu.memory_space<vmem>>, vector<64x112xf32>
    tpu.vector_store %arg3[%swap3A_1597, %swap3A_1598], %get3A_1596 {strides = array<i32>} : memref<64x28800xf32, #tpu.memory_space<vmem>>, vector<64x112xf32>,
    %swap3A_1600 = arith.constant 0 : index
    %swap3A_1601 = arith.constant 25600 : index
    %swap3A_1602 = vector.load %arg3[%swap3A_1600, %swap3A_1601] : memref<64x28800xf32, #tpu.memory_space<vmem>>, vector<64x32xf32>
    tpu.vector_store %arg3[%swap3A_1600, %swap3A_1601], %get3A_1 {strides = array<i32>} : memref<64x28800xf32, #tpu.memory_space<vmem>>, vector<64x32xf32>,
    %get3A_1603 = arith.constant 0 : index
    %get3A_1604 = arith.constant 19936 : index
    %get3A_1605 = vector.load %arg1[%get3A_1603, %get3A_1604] : memref<64x22400xf32, #tpu.memory_space<vmem>>, vector<64x112xf32>
    %swap3A_1606 = arith.constant 0 : index
    %swap3A_1607 = arith.constant 25632 : index
    %swap3A_1608 = vector.load %arg3[%swap3A_1606, %swap3A_1607] : memref<64x28800xf32, #tpu.memory_space<vmem>>, vector<64x112xf32>
    tpu.vector_store %arg3[%swap3A_1606, %swap3A_1607], %get3A_1605 {strides = array<i32>} : memref<64x28800xf32, #tpu.memory_space<vmem>>, vector<64x112xf32>,
    %swap3A_1609 = arith.constant 0 : index
    %swap3A_1610 = arith.constant 25744 : index
    %swap3A_1611 = vector.load %arg3[%swap3A_1609, %swap3A_1610] : memref<64x28800xf32, #tpu.memory_space<vmem>>, vector<64x32xf32>
    tpu.vector_store %arg3[%swap3A_1609, %swap3A_1610], %get3A_1 {strides = array<i32>} : memref<64x28800xf32, #tpu.memory_space<vmem>>, vector<64x32xf32>,
    %get3A_1612 = arith.constant 0 : index
    %get3A_1613 = arith.constant 20048 : index
    %get3A_1614 = vector.load %arg1[%get3A_1612, %get3A_1613] : memref<64x22400xf32, #tpu.memory_space<vmem>>, vector<64x112xf32>
    %swap3A_1615 = arith.constant 0 : index
    %swap3A_1616 = arith.constant 25776 : index
    %swap3A_1617 = vector.load %arg3[%swap3A_1615, %swap3A_1616] : memref<64x28800xf32, #tpu.memory_space<vmem>>, vector<64x112xf32>
    tpu.vector_store %arg3[%swap3A_1615, %swap3A_1616], %get3A_1614 {strides = array<i32>} : memref<64x28800xf32, #tpu.memory_space<vmem>>, vector<64x112xf32>,
    %swap3A_1618 = arith.constant 0 : index
    %swap3A_1619 = arith.constant 25888 : index
    %swap3A_1620 = vector.load %arg3[%swap3A_1618, %swap3A_1619] : memref<64x28800xf32, #tpu.memory_space<vmem>>, vector<64x32xf32>
    tpu.vector_store %arg3[%swap3A_1618, %swap3A_1619], %get3A_1 {strides = array<i32>} : memref<64x28800xf32, #tpu.memory_space<vmem>>, vector<64x32xf32>,
    %get3A_1621 = arith.constant 0 : index
    %get3A_1622 = arith.constant 20160 : index
    %get3A_1623 = vector.load %arg1[%get3A_1621, %get3A_1622] : memref<64x22400xf32, #tpu.memory_space<vmem>>, vector<64x112xf32>
    %swap3A_1624 = arith.constant 0 : index
    %swap3A_1625 = arith.constant 25920 : index
    %swap3A_1626 = vector.load %arg3[%swap3A_1624, %swap3A_1625] : memref<64x28800xf32, #tpu.memory_space<vmem>>, vector<64x112xf32>
    tpu.vector_store %arg3[%swap3A_1624, %swap3A_1625], %get3A_1623 {strides = array<i32>} : memref<64x28800xf32, #tpu.memory_space<vmem>>, vector<64x112xf32>,
    %swap3A_1627 = arith.constant 0 : index
    %swap3A_1628 = arith.constant 26032 : index
    %swap3A_1629 = vector.load %arg3[%swap3A_1627, %swap3A_1628] : memref<64x28800xf32, #tpu.memory_space<vmem>>, vector<64x32xf32>
    tpu.vector_store %arg3[%swap3A_1627, %swap3A_1628], %get3A_1 {strides = array<i32>} : memref<64x28800xf32, #tpu.memory_space<vmem>>, vector<64x32xf32>,
    %get3A_1630 = arith.constant 0 : index
    %get3A_1631 = arith.constant 20272 : index
    %get3A_1632 = vector.load %arg1[%get3A_1630, %get3A_1631] : memref<64x22400xf32, #tpu.memory_space<vmem>>, vector<64x112xf32>
    %swap3A_1633 = arith.constant 0 : index
    %swap3A_1634 = arith.constant 26064 : index
    %swap3A_1635 = vector.load %arg3[%swap3A_1633, %swap3A_1634] : memref<64x28800xf32, #tpu.memory_space<vmem>>, vector<64x112xf32>
    tpu.vector_store %arg3[%swap3A_1633, %swap3A_1634], %get3A_1632 {strides = array<i32>} : memref<64x28800xf32, #tpu.memory_space<vmem>>, vector<64x112xf32>,
    %swap3A_1636 = arith.constant 0 : index
    %swap3A_1637 = arith.constant 26176 : index
    %swap3A_1638 = vector.load %arg3[%swap3A_1636, %swap3A_1637] : memref<64x28800xf32, #tpu.memory_space<vmem>>, vector<64x32xf32>
    tpu.vector_store %arg3[%swap3A_1636, %swap3A_1637], %get3A_1 {strides = array<i32>} : memref<64x28800xf32, #tpu.memory_space<vmem>>, vector<64x32xf32>,
    %get3A_1639 = arith.constant 0 : index
    %get3A_1640 = arith.constant 20384 : index
    %get3A_1641 = vector.load %arg1[%get3A_1639, %get3A_1640] : memref<64x22400xf32, #tpu.memory_space<vmem>>, vector<64x112xf32>
    %swap3A_1642 = arith.constant 0 : index
    %swap3A_1643 = arith.constant 26208 : index
    %swap3A_1644 = vector.load %arg3[%swap3A_1642, %swap3A_1643] : memref<64x28800xf32, #tpu.memory_space<vmem>>, vector<64x112xf32>
    tpu.vector_store %arg3[%swap3A_1642, %swap3A_1643], %get3A_1641 {strides = array<i32>} : memref<64x28800xf32, #tpu.memory_space<vmem>>, vector<64x112xf32>,
    %swap3A_1645 = arith.constant 0 : index
    %swap3A_1646 = arith.constant 26320 : index
    %swap3A_1647 = vector.load %arg3[%swap3A_1645, %swap3A_1646] : memref<64x28800xf32, #tpu.memory_space<vmem>>, vector<64x32xf32>
    tpu.vector_store %arg3[%swap3A_1645, %swap3A_1646], %get3A_1 {strides = array<i32>} : memref<64x28800xf32, #tpu.memory_space<vmem>>, vector<64x32xf32>,
    %get3A_1648 = arith.constant 0 : index
    %get3A_1649 = arith.constant 20496 : index
    %get3A_1650 = vector.load %arg1[%get3A_1648, %get3A_1649] : memref<64x22400xf32, #tpu.memory_space<vmem>>, vector<64x112xf32>
    %swap3A_1651 = arith.constant 0 : index
    %swap3A_1652 = arith.constant 26352 : index
    %swap3A_1653 = vector.load %arg3[%swap3A_1651, %swap3A_1652] : memref<64x28800xf32, #tpu.memory_space<vmem>>, vector<64x112xf32>
    tpu.vector_store %arg3[%swap3A_1651, %swap3A_1652], %get3A_1650 {strides = array<i32>} : memref<64x28800xf32, #tpu.memory_space<vmem>>, vector<64x112xf32>,
    %swap3A_1654 = arith.constant 0 : index
    %swap3A_1655 = arith.constant 26464 : index
    %swap3A_1656 = vector.load %arg3[%swap3A_1654, %swap3A_1655] : memref<64x28800xf32, #tpu.memory_space<vmem>>, vector<64x32xf32>
    tpu.vector_store %arg3[%swap3A_1654, %swap3A_1655], %get3A_1 {strides = array<i32>} : memref<64x28800xf32, #tpu.memory_space<vmem>>, vector<64x32xf32>,
    %get3A_1657 = arith.constant 0 : index
    %get3A_1658 = arith.constant 20608 : index
    %get3A_1659 = vector.load %arg1[%get3A_1657, %get3A_1658] : memref<64x22400xf32, #tpu.memory_space<vmem>>, vector<64x112xf32>
    %swap3A_1660 = arith.constant 0 : index
    %swap3A_1661 = arith.constant 26496 : index
    %swap3A_1662 = vector.load %arg3[%swap3A_1660, %swap3A_1661] : memref<64x28800xf32, #tpu.memory_space<vmem>>, vector<64x112xf32>
    tpu.vector_store %arg3[%swap3A_1660, %swap3A_1661], %get3A_1659 {strides = array<i32>} : memref<64x28800xf32, #tpu.memory_space<vmem>>, vector<64x112xf32>,
    %swap3A_1663 = arith.constant 0 : index
    %swap3A_1664 = arith.constant 26608 : index
    %swap3A_1665 = vector.load %arg3[%swap3A_1663, %swap3A_1664] : memref<64x28800xf32, #tpu.memory_space<vmem>>, vector<64x32xf32>
    tpu.vector_store %arg3[%swap3A_1663, %swap3A_1664], %get3A_1 {strides = array<i32>} : memref<64x28800xf32, #tpu.memory_space<vmem>>, vector<64x32xf32>,
    %get3A_1666 = arith.constant 0 : index
    %get3A_1667 = arith.constant 20720 : index
    %get3A_1668 = vector.load %arg1[%get3A_1666, %get3A_1667] : memref<64x22400xf32, #tpu.memory_space<vmem>>, vector<64x112xf32>
    %swap3A_1669 = arith.constant 0 : index
    %swap3A_1670 = arith.constant 26640 : index
    %swap3A_1671 = vector.load %arg3[%swap3A_1669, %swap3A_1670] : memref<64x28800xf32, #tpu.memory_space<vmem>>, vector<64x112xf32>
    tpu.vector_store %arg3[%swap3A_1669, %swap3A_1670], %get3A_1668 {strides = array<i32>} : memref<64x28800xf32, #tpu.memory_space<vmem>>, vector<64x112xf32>,
    %swap3A_1672 = arith.constant 0 : index
    %swap3A_1673 = arith.constant 26752 : index
    %swap3A_1674 = vector.load %arg3[%swap3A_1672, %swap3A_1673] : memref<64x28800xf32, #tpu.memory_space<vmem>>, vector<64x32xf32>
    tpu.vector_store %arg3[%swap3A_1672, %swap3A_1673], %get3A_1 {strides = array<i32>} : memref<64x28800xf32, #tpu.memory_space<vmem>>, vector<64x32xf32>,
    %get3A_1675 = arith.constant 0 : index
    %get3A_1676 = arith.constant 20832 : index
    %get3A_1677 = vector.load %arg1[%get3A_1675, %get3A_1676] : memref<64x22400xf32, #tpu.memory_space<vmem>>, vector<64x112xf32>
    %swap3A_1678 = arith.constant 0 : index
    %swap3A_1679 = arith.constant 26784 : index
    %swap3A_1680 = vector.load %arg3[%swap3A_1678, %swap3A_1679] : memref<64x28800xf32, #tpu.memory_space<vmem>>, vector<64x112xf32>
    tpu.vector_store %arg3[%swap3A_1678, %swap3A_1679], %get3A_1677 {strides = array<i32>} : memref<64x28800xf32, #tpu.memory_space<vmem>>, vector<64x112xf32>,
    %swap3A_1681 = arith.constant 0 : index
    %swap3A_1682 = arith.constant 26896 : index
    %swap3A_1683 = vector.load %arg3[%swap3A_1681, %swap3A_1682] : memref<64x28800xf32, #tpu.memory_space<vmem>>, vector<64x32xf32>
    tpu.vector_store %arg3[%swap3A_1681, %swap3A_1682], %get3A_1 {strides = array<i32>} : memref<64x28800xf32, #tpu.memory_space<vmem>>, vector<64x32xf32>,
    %get3A_1684 = arith.constant 0 : index
    %get3A_1685 = arith.constant 20944 : index
    %get3A_1686 = vector.load %arg1[%get3A_1684, %get3A_1685] : memref<64x22400xf32, #tpu.memory_space<vmem>>, vector<64x112xf32>
    %swap3A_1687 = arith.constant 0 : index
    %swap3A_1688 = arith.constant 26928 : index
    %swap3A_1689 = vector.load %arg3[%swap3A_1687, %swap3A_1688] : memref<64x28800xf32, #tpu.memory_space<vmem>>, vector<64x112xf32>
    tpu.vector_store %arg3[%swap3A_1687, %swap3A_1688], %get3A_1686 {strides = array<i32>} : memref<64x28800xf32, #tpu.memory_space<vmem>>, vector<64x112xf32>,
    %swap3A_1690 = arith.constant 0 : index
    %swap3A_1691 = arith.constant 27040 : index
    %swap3A_1692 = vector.load %arg3[%swap3A_1690, %swap3A_1691] : memref<64x28800xf32, #tpu.memory_space<vmem>>, vector<64x32xf32>
    tpu.vector_store %arg3[%swap3A_1690, %swap3A_1691], %get3A_1 {strides = array<i32>} : memref<64x28800xf32, #tpu.memory_space<vmem>>, vector<64x32xf32>,
    %get3A_1693 = arith.constant 0 : index
    %get3A_1694 = arith.constant 21056 : index
    %get3A_1695 = vector.load %arg1[%get3A_1693, %get3A_1694] : memref<64x22400xf32, #tpu.memory_space<vmem>>, vector<64x112xf32>
    %swap3A_1696 = arith.constant 0 : index
    %swap3A_1697 = arith.constant 27072 : index
    %swap3A_1698 = vector.load %arg3[%swap3A_1696, %swap3A_1697] : memref<64x28800xf32, #tpu.memory_space<vmem>>, vector<64x112xf32>
    tpu.vector_store %arg3[%swap3A_1696, %swap3A_1697], %get3A_1695 {strides = array<i32>} : memref<64x28800xf32, #tpu.memory_space<vmem>>, vector<64x112xf32>,
    %swap3A_1699 = arith.constant 0 : index
    %swap3A_1700 = arith.constant 27184 : index
    %swap3A_1701 = vector.load %arg3[%swap3A_1699, %swap3A_1700] : memref<64x28800xf32, #tpu.memory_space<vmem>>, vector<64x32xf32>
    tpu.vector_store %arg3[%swap3A_1699, %swap3A_1700], %get3A_1 {strides = array<i32>} : memref<64x28800xf32, #tpu.memory_space<vmem>>, vector<64x32xf32>,
    %get3A_1702 = arith.constant 0 : index
    %get3A_1703 = arith.constant 21168 : index
    %get3A_1704 = vector.load %arg1[%get3A_1702, %get3A_1703] : memref<64x22400xf32, #tpu.memory_space<vmem>>, vector<64x112xf32>
    %swap3A_1705 = arith.constant 0 : index
    %swap3A_1706 = arith.constant 27216 : index
    %swap3A_1707 = vector.load %arg3[%swap3A_1705, %swap3A_1706] : memref<64x28800xf32, #tpu.memory_space<vmem>>, vector<64x112xf32>
    tpu.vector_store %arg3[%swap3A_1705, %swap3A_1706], %get3A_1704 {strides = array<i32>} : memref<64x28800xf32, #tpu.memory_space<vmem>>, vector<64x112xf32>,
    %swap3A_1708 = arith.constant 0 : index
    %swap3A_1709 = arith.constant 27328 : index
    %swap3A_1710 = vector.load %arg3[%swap3A_1708, %swap3A_1709] : memref<64x28800xf32, #tpu.memory_space<vmem>>, vector<64x32xf32>
    tpu.vector_store %arg3[%swap3A_1708, %swap3A_1709], %get3A_1 {strides = array<i32>} : memref<64x28800xf32, #tpu.memory_space<vmem>>, vector<64x32xf32>,
    %get3A_1711 = arith.constant 0 : index
    %get3A_1712 = arith.constant 21280 : index
    %get3A_1713 = vector.load %arg1[%get3A_1711, %get3A_1712] : memref<64x22400xf32, #tpu.memory_space<vmem>>, vector<64x112xf32>
    %swap3A_1714 = arith.constant 0 : index
    %swap3A_1715 = arith.constant 27360 : index
    %swap3A_1716 = vector.load %arg3[%swap3A_1714, %swap3A_1715] : memref<64x28800xf32, #tpu.memory_space<vmem>>, vector<64x112xf32>
    tpu.vector_store %arg3[%swap3A_1714, %swap3A_1715], %get3A_1713 {strides = array<i32>} : memref<64x28800xf32, #tpu.memory_space<vmem>>, vector<64x112xf32>,
    %swap3A_1717 = arith.constant 0 : index
    %swap3A_1718 = arith.constant 27472 : index
    %swap3A_1719 = vector.load %arg3[%swap3A_1717, %swap3A_1718] : memref<64x28800xf32, #tpu.memory_space<vmem>>, vector<64x32xf32>
    tpu.vector_store %arg3[%swap3A_1717, %swap3A_1718], %get3A_1 {strides = array<i32>} : memref<64x28800xf32, #tpu.memory_space<vmem>>, vector<64x32xf32>,
    %get3A_1720 = arith.constant 0 : index
    %get3A_1721 = arith.constant 21392 : index
    %get3A_1722 = vector.load %arg1[%get3A_1720, %get3A_1721] : memref<64x22400xf32, #tpu.memory_space<vmem>>, vector<64x112xf32>
    %swap3A_1723 = arith.constant 0 : index
    %swap3A_1724 = arith.constant 27504 : index
    %swap3A_1725 = vector.load %arg3[%swap3A_1723, %swap3A_1724] : memref<64x28800xf32, #tpu.memory_space<vmem>>, vector<64x112xf32>
    tpu.vector_store %arg3[%swap3A_1723, %swap3A_1724], %get3A_1722 {strides = array<i32>} : memref<64x28800xf32, #tpu.memory_space<vmem>>, vector<64x112xf32>,
    %swap3A_1726 = arith.constant 0 : index
    %swap3A_1727 = arith.constant 27616 : index
    %swap3A_1728 = vector.load %arg3[%swap3A_1726, %swap3A_1727] : memref<64x28800xf32, #tpu.memory_space<vmem>>, vector<64x32xf32>
    tpu.vector_store %arg3[%swap3A_1726, %swap3A_1727], %get3A_1 {strides = array<i32>} : memref<64x28800xf32, #tpu.memory_space<vmem>>, vector<64x32xf32>,
    %get3A_1729 = arith.constant 0 : index
    %get3A_1730 = arith.constant 21504 : index
    %get3A_1731 = vector.load %arg1[%get3A_1729, %get3A_1730] : memref<64x22400xf32, #tpu.memory_space<vmem>>, vector<64x112xf32>
    %swap3A_1732 = arith.constant 0 : index
    %swap3A_1733 = arith.constant 27648 : index
    %swap3A_1734 = vector.load %arg3[%swap3A_1732, %swap3A_1733] : memref<64x28800xf32, #tpu.memory_space<vmem>>, vector<64x112xf32>
    tpu.vector_store %arg3[%swap3A_1732, %swap3A_1733], %get3A_1731 {strides = array<i32>} : memref<64x28800xf32, #tpu.memory_space<vmem>>, vector<64x112xf32>,
    %swap3A_1735 = arith.constant 0 : index
    %swap3A_1736 = arith.constant 27760 : index
    %swap3A_1737 = vector.load %arg3[%swap3A_1735, %swap3A_1736] : memref<64x28800xf32, #tpu.memory_space<vmem>>, vector<64x32xf32>
    tpu.vector_store %arg3[%swap3A_1735, %swap3A_1736], %get3A_1 {strides = array<i32>} : memref<64x28800xf32, #tpu.memory_space<vmem>>, vector<64x32xf32>,
    %get3A_1738 = arith.constant 0 : index
    %get3A_1739 = arith.constant 21616 : index
    %get3A_1740 = vector.load %arg1[%get3A_1738, %get3A_1739] : memref<64x22400xf32, #tpu.memory_space<vmem>>, vector<64x112xf32>
    %swap3A_1741 = arith.constant 0 : index
    %swap3A_1742 = arith.constant 27792 : index
    %swap3A_1743 = vector.load %arg3[%swap3A_1741, %swap3A_1742] : memref<64x28800xf32, #tpu.memory_space<vmem>>, vector<64x112xf32>
    tpu.vector_store %arg3[%swap3A_1741, %swap3A_1742], %get3A_1740 {strides = array<i32>} : memref<64x28800xf32, #tpu.memory_space<vmem>>, vector<64x112xf32>,
    %swap3A_1744 = arith.constant 0 : index
    %swap3A_1745 = arith.constant 27904 : index
    %swap3A_1746 = vector.load %arg3[%swap3A_1744, %swap3A_1745] : memref<64x28800xf32, #tpu.memory_space<vmem>>, vector<64x32xf32>
    tpu.vector_store %arg3[%swap3A_1744, %swap3A_1745], %get3A_1 {strides = array<i32>} : memref<64x28800xf32, #tpu.memory_space<vmem>>, vector<64x32xf32>,
    %get3A_1747 = arith.constant 0 : index
    %get3A_1748 = arith.constant 21728 : index
    %get3A_1749 = vector.load %arg1[%get3A_1747, %get3A_1748] : memref<64x22400xf32, #tpu.memory_space<vmem>>, vector<64x112xf32>
    %swap3A_1750 = arith.constant 0 : index
    %swap3A_1751 = arith.constant 27936 : index
    %swap3A_1752 = vector.load %arg3[%swap3A_1750, %swap3A_1751] : memref<64x28800xf32, #tpu.memory_space<vmem>>, vector<64x112xf32>
    tpu.vector_store %arg3[%swap3A_1750, %swap3A_1751], %get3A_1749 {strides = array<i32>} : memref<64x28800xf32, #tpu.memory_space<vmem>>, vector<64x112xf32>,
    %swap3A_1753 = arith.constant 0 : index
    %swap3A_1754 = arith.constant 28048 : index
    %swap3A_1755 = vector.load %arg3[%swap3A_1753, %swap3A_1754] : memref<64x28800xf32, #tpu.memory_space<vmem>>, vector<64x32xf32>
    tpu.vector_store %arg3[%swap3A_1753, %swap3A_1754], %get3A_1 {strides = array<i32>} : memref<64x28800xf32, #tpu.memory_space<vmem>>, vector<64x32xf32>,
    %get3A_1756 = arith.constant 0 : index
    %get3A_1757 = arith.constant 21840 : index
    %get3A_1758 = vector.load %arg1[%get3A_1756, %get3A_1757] : memref<64x22400xf32, #tpu.memory_space<vmem>>, vector<64x112xf32>
    %swap3A_1759 = arith.constant 0 : index
    %swap3A_1760 = arith.constant 28080 : index
    %swap3A_1761 = vector.load %arg3[%swap3A_1759, %swap3A_1760] : memref<64x28800xf32, #tpu.memory_space<vmem>>, vector<64x112xf32>
    tpu.vector_store %arg3[%swap3A_1759, %swap3A_1760], %get3A_1758 {strides = array<i32>} : memref<64x28800xf32, #tpu.memory_space<vmem>>, vector<64x112xf32>,
    %swap3A_1762 = arith.constant 0 : index
    %swap3A_1763 = arith.constant 28192 : index
    %swap3A_1764 = vector.load %arg3[%swap3A_1762, %swap3A_1763] : memref<64x28800xf32, #tpu.memory_space<vmem>>, vector<64x32xf32>
    tpu.vector_store %arg3[%swap3A_1762, %swap3A_1763], %get3A_1 {strides = array<i32>} : memref<64x28800xf32, #tpu.memory_space<vmem>>, vector<64x32xf32>,
    %get3A_1765 = arith.constant 0 : index
    %get3A_1766 = arith.constant 21952 : index
    %get3A_1767 = vector.load %arg1[%get3A_1765, %get3A_1766] : memref<64x22400xf32, #tpu.memory_space<vmem>>, vector<64x112xf32>
    %swap3A_1768 = arith.constant 0 : index
    %swap3A_1769 = arith.constant 28224 : index
    %swap3A_1770 = vector.load %arg3[%swap3A_1768, %swap3A_1769] : memref<64x28800xf32, #tpu.memory_space<vmem>>, vector<64x112xf32>
    tpu.vector_store %arg3[%swap3A_1768, %swap3A_1769], %get3A_1767 {strides = array<i32>} : memref<64x28800xf32, #tpu.memory_space<vmem>>, vector<64x112xf32>,
    %swap3A_1771 = arith.constant 0 : index
    %swap3A_1772 = arith.constant 28336 : index
    %swap3A_1773 = vector.load %arg3[%swap3A_1771, %swap3A_1772] : memref<64x28800xf32, #tpu.memory_space<vmem>>, vector<64x32xf32>
    tpu.vector_store %arg3[%swap3A_1771, %swap3A_1772], %get3A_1 {strides = array<i32>} : memref<64x28800xf32, #tpu.memory_space<vmem>>, vector<64x32xf32>,
    %get3A_1774 = arith.constant 0 : index
    %get3A_1775 = arith.constant 22064 : index
    %get3A_1776 = vector.load %arg1[%get3A_1774, %get3A_1775] : memref<64x22400xf32, #tpu.memory_space<vmem>>, vector<64x112xf32>
    %swap3A_1777 = arith.constant 0 : index
    %swap3A_1778 = arith.constant 28368 : index
    %swap3A_1779 = vector.load %arg3[%swap3A_1777, %swap3A_1778] : memref<64x28800xf32, #tpu.memory_space<vmem>>, vector<64x112xf32>
    tpu.vector_store %arg3[%swap3A_1777, %swap3A_1778], %get3A_1776 {strides = array<i32>} : memref<64x28800xf32, #tpu.memory_space<vmem>>, vector<64x112xf32>,
    %swap3A_1780 = arith.constant 0 : index
    %swap3A_1781 = arith.constant 28480 : index
    %swap3A_1782 = vector.load %arg3[%swap3A_1780, %swap3A_1781] : memref<64x28800xf32, #tpu.memory_space<vmem>>, vector<64x32xf32>
    tpu.vector_store %arg3[%swap3A_1780, %swap3A_1781], %get3A_1 {strides = array<i32>} : memref<64x28800xf32, #tpu.memory_space<vmem>>, vector<64x32xf32>,
    %get3A_1783 = arith.constant 0 : index
    %get3A_1784 = arith.constant 22176 : index
    %get3A_1785 = vector.load %arg1[%get3A_1783, %get3A_1784] : memref<64x22400xf32, #tpu.memory_space<vmem>>, vector<64x112xf32>
    %swap3A_1786 = arith.constant 0 : index
    %swap3A_1787 = arith.constant 28512 : index
    %swap3A_1788 = vector.load %arg3[%swap3A_1786, %swap3A_1787] : memref<64x28800xf32, #tpu.memory_space<vmem>>, vector<64x112xf32>
    tpu.vector_store %arg3[%swap3A_1786, %swap3A_1787], %get3A_1785 {strides = array<i32>} : memref<64x28800xf32, #tpu.memory_space<vmem>>, vector<64x112xf32>,
    %swap3A_1789 = arith.constant 0 : index
    %swap3A_1790 = arith.constant 28624 : index
    %swap3A_1791 = vector.load %arg3[%swap3A_1789, %swap3A_1790] : memref<64x28800xf32, #tpu.memory_space<vmem>>, vector<64x32xf32>
    tpu.vector_store %arg3[%swap3A_1789, %swap3A_1790], %get3A_1 {strides = array<i32>} : memref<64x28800xf32, #tpu.memory_space<vmem>>, vector<64x32xf32>,
    %get3A_1792 = arith.constant 0 : index
    %get3A_1793 = arith.constant 22288 : index
    %get3A_1794 = vector.load %arg1[%get3A_1792, %get3A_1793] : memref<64x22400xf32, #tpu.memory_space<vmem>>, vector<64x112xf32>
    %swap3A_1795 = arith.constant 0 : index
    %swap3A_1796 = arith.constant 28656 : index
    %swap3A_1797 = vector.load %arg3[%swap3A_1795, %swap3A_1796] : memref<64x28800xf32, #tpu.memory_space<vmem>>, vector<64x112xf32>
    tpu.vector_store %arg3[%swap3A_1795, %swap3A_1796], %get3A_1794 {strides = array<i32>} : memref<64x28800xf32, #tpu.memory_space<vmem>>, vector<64x112xf32>,
    %swap3A_1798 = arith.constant 0 : index
    %swap3A_1799 = arith.constant 28768 : index
    %swap3A_1800 = vector.load %arg3[%swap3A_1798, %swap3A_1799] : memref<64x28800xf32, #tpu.memory_space<vmem>>, vector<64x32xf32>
    tpu.vector_store %arg3[%swap3A_1798, %swap3A_1799], %get3A_1 {strides = array<i32>} : memref<64x28800xf32, #tpu.memory_space<vmem>>, vector<64x32xf32>,
    return
  }
  func.func @transform_0(%arg0: i32) -> (i32, i32) {
    %c0_i32 = arith.constant 0 : i32
    %c0_i32_0 = arith.constant 0 : i32
    return %arg0, %c0_i32 : i32, i32
  }
  func.func @transform_1(%arg0: i32) -> (i32, i32) {
    %c0_i32 = arith.constant 0 : i32
    %c0_i32_0 = arith.constant 0 : i32
    return %arg0, %c0_i32 : i32, i32
  }
  func.func @transform_2(%arg0: i32) -> (i32, i32) {
    %c0_i32 = arith.constant 0 : i32
    %c0_i32_0 = arith.constant 0 : i32
    return %arg0, %c0_i32 : i32, i32
  }
}

</mosaic_0001>

<sc_bundles>
// kernel: kernel.4.cloned.1.call-start
scs
__scs_entry_jumppad:
0x0: {  	(pc) =	sbr.rel $0x88, $3  }
0x1: {  	(tag) =	ssettag $0x0;
	lr =	simm.s32 $0x1  }
0x2: {  	[smem:$0x3F9E] =	sst lr;
	_ =	strace $0xD0000000  }
0x3: {  	_ = 	snop  }
0x4: {  	_ = 	snop  }
0x5: {  	_ = 	snop  }
0x6: {  	_ = 	snop  }
0x7: {  	_ = 	snop  }
__scs_overlays_trampoline_lowered:
0x8: {  	[smem:$0x3FAD] =	sst s0  }
0x9: {  	[smem:$0x3FAE] =	sst s1  }
0xa: {  	[smem:$0x3FAF] =	sst s2  }
0xb: {  	[smem:$0x3FB0] =	sst s3  }
0xc: {  	[smem:$0x3FB1] =	sst s4  }
0xd: {  	[smem:$0x3FB2] =	sst s5  }
0xe: {  	[smem:$0x3FB3] =	sst s6  }
0xf: {  	[smem:$0x3FB4] =	sst s7  }
0x10: {  	[smem:$0x3FB5] =	sst s8  }
0x11: {  	[smem:$0x3FB6] =	sst s9;
	s0 =	simm.s32 @!p0 $0x0  }
0x12: {  	s1 =	sld [smem:$0x3F9C];
	s0 =	simm.s32 @p0 $0x1  }
0x13: {  	[smem:$0x3FB7] =	sst s0;
	s0 =	simm.s32 @!p1 $0x0  }
0x14: {  	s2 =	sld [smem:$0x3F9B];
	s0 =	simm.s32 @p1 $0x1  }
0x15: {  	[smem:$0x3FB8] =	sst s0;
	s0 =	simm.s32 @!p2 $0x0  }
0x16: {  	s3 =	sld [smem:$0x3FDB];
	s0 =	simm.s32 @p2 $0x1  }
0x17: {  	s4 =	simm.s32 $0x1BF5;
	[smem:$0x3FBA] =	sst s0  }
0x18: {  	s0 =	sld [smem:$0x3F9D];
	_ =	swait.ge [sflag:s4], $0x0  }
0x19: {  	s7 =	sld [smem:$0x3F9E]  }
0x1a: {  	s8 =	sadd.s32 $0xFFFFE003, lr  }
0x1b: {  	s9 =	sadd.s32 $0xFFFFFEF7, lr;
	s5 =	simm.s32 $0xFFFFFFFF;
	p2 =	slt.u32 s8, $0xFFFFF086  }
0x1c: {  	p1 =	slt.u32 s9, $0xF7A;
	s5 =	simm.s32 @!p2 $0x0  }
0x1d: {  	s5 =	simm.s32 @p1 $0x1;
	p0 =	seq.s32 s7, s2  }
0x1e: {  	s7 =	smul.u32 @!p0 $0xF7A, s2;
	p2 =	seq.s32 @!p0 s5, $0x0  }
0x1f: {  	s9 =	smul.u32 $0xF7A, s1;
	s8 =	simm.s32 @!p0 $0x1BF5;
	p2 =	por !p2, p0  }
0x20: {  	[sflag:s8] =	ssyncset.s32 @!p0 $0xFFFFF086;
	s6 =	sadd.s32 @!p0 s3, s7;
	s7 =	simm.s32 @!p0 $0x108  }
0x21: {  	s3 =	sadd.s32 s3, s9;
	s6 =	sadd.s32 @!p0 $0x88, s6;
	s7 =	simm.s32 @p2 $0x1082  }
0x22: {  	[simem:s7], [sflag:s8] =	dma.local @!p0 [hbm:s6], $0xF7A  }
0x23: {  	s9 =	sor.u32 $0xD0000000, s2;
	s6 =	simm.s32 $0x108;
	_ =	swait.ge @!p0 [sflag:s8], $0x0  }
0x24: {  	s3 =	sadd.s32 $0x88, s3;
	s6 =	simm.s32 @!p1 $0x1082;
	[sflag:s4] =	ssyncset.s32 $0xFFFFF086  }
0x25: {  	[simem:s6], [sflag:s4] =	dma.local [hbm:s3], $0xF7A  }
0x26: {  	[smem:$0x3F9E] =	sst s1;
	(tag) =	ssettag s2;
	_ =	strace s9  }
0x27: {  	s1 =	sld [smem:$0x3FAE]  }
0x28: {  	s2 =	sld [smem:$0x3FAF]  }
0x29: {  	s4 =	sld [smem:$0x3FB1]  }
0x2a: {  	p0 =	seq.s32 s5, $0x0;
	s5 =	sld [smem:$0x3FB2]  }
0x2b: {  	s6 =	sld [smem:$0x3FB3]  }
0x2c: {  	s7 =	sld [smem:$0x3FB4]  }
0x2d: {  	s3 =	simm.s32 $0x108;
	s8 =	sld [smem:$0x3FB5]  }
0x2e: {  	s3 =	simm.s32 @!p0 $0x1082;
	s9 =	sld [smem:$0x3FB6]  }
0x2f: {  	lr =	sadd.s32 s0, s3;
	s0 =	sld [smem:$0x3FAD]  }
0x30: {  	s3 =	sld [smem:$0x3FB0]  }
0x31: {  	[smem:$0x3FB9] =	sst s10  }
0x32: {  	s10 =	sld [smem:$0x3FB7];
	_ =	sdelay $0x3  }
0x33: {  	p0 =	seq.s32 s10, $0x1;
	s10 =	sld [smem:$0x3FB9];
	_ =	sdelay $0x3  }
0x34: {  	[smem:$0x3FB9] =	sst s10  }
0x35: {  	s10 =	sld [smem:$0x3FB8];
	_ =	sdelay $0x3  }
0x36: {  	p1 =	seq.s32 s10, $0x1;
	s10 =	sld [smem:$0x3FB9];
	_ =	sdelay $0x3  }
0x37: {  	[smem:$0x3FB9] =	sst s10  }
0x38: {  	s10 =	sld [smem:$0x3FBA]  }
0x39: {  	_ = 	snop;
	(pc) =	sbr.ind lr, $3  }
0x3a: {  	_ = 	snop  }
0x3b: {  	_ = 	snop  }
0x3c: {  	p2 =	seq.s32 s10, $0x1;
	s10 =	sld [smem:$0x3FB9]  }
0x3d: {  	_ =	shalt  }
0x3e: {  	_ =	shalt  }
0x3f: {  	_ =	shalt  }
0x40: {  	_ =	shalt  }
0x41: {  	_ =	shalt  }
0x42: {  	_ =	shalt  }
0x43: {  	_ =	shalt  }
0x44: {  	_ =	shalt  }
0x45: {  	_ =	shalt  }
0x46: {  	_ =	shalt  }
0x47: {  	_ =	shalt  }
0x48: {  	_ =	shalt  }
0x49: {  	_ =	shalt  }
0x4a: {  	_ =	shalt  }
0x4b: {  	_ =	shalt  }
0x4c: {  	_ =	shalt  }
0x4d: {  	_ =	shalt  }
0x4e: {  	_ =	shalt  }
0x4f: {  	_ =	shalt  }
0x50: {  	_ =	shalt  }
0x51: {  	_ =	shalt  }
0x52: {  	_ =	shalt  }
0x53: {  	_ =	shalt  }
0x54: {  	_ =	shalt  }
0x55: {  	_ =	shalt  }
0x56: {  	_ =	shalt  }
0x57: {  	_ =	shalt  }
0x58: {  	_ =	shalt  }
0x59: {  	_ =	shalt  }
0x5a: {  	_ =	shalt  }
0x5b: {  	_ =	shalt  }
0x5c: {  	_ =	shalt  }
0x5d: {  	_ =	shalt  }
0x5e: {  	_ =	shalt  }
0x5f: {  	_ =	shalt  }
0x60: {  	_ =	shalt  }
0x61: {  	_ =	shalt  }
0x62: {  	_ =	shalt  }
0x63: {  	_ =	shalt  }
0x64: {  	_ =	shalt  }
0x65: {  	_ =	shalt  }
0x66: {  	_ =	shalt  }
0x67: {  	_ =	shalt  }
0x68: {  	_ =	shalt  }
0x69: {  	_ =	shalt  }
0x6a: {  	_ =	shalt  }
0x6b: {  	_ =	shalt  }
0x6c: {  	_ =	shalt  }
0x6d: {  	_ =	shalt  }
0x6e: {  	_ =	shalt  }
0x6f: {  	_ =	shalt  }
0x70: {  	_ =	shalt  }
0x71: {  	_ =	shalt  }
0x72: {  	_ =	shalt  }
0x73: {  	_ =	shalt  }
0x74: {  	_ =	shalt  }
0x75: {  	_ =	shalt  }
0x76: {  	_ =	shalt  }
0x77: {  	_ =	shalt  }
0x78: {  	_ =	shalt  }
0x79: {  	_ =	shalt  }
0x7a: {  	_ =	shalt  }
0x7b: {  	_ =	shalt  }
0x7c: {  	_ =	shalt  }
0x7d: {  	_ =	shalt  }
0x7e: {  	_ =	shalt  }
0x7f: {  	_ =	shalt  }
0x80: {  	_ =	shalt  }
0x81: {  	_ =	shalt  }
0x82: {  	_ =	shalt  }
0x83: {  	_ =	shalt  }
0x84: {  	_ =	shalt  }
0x85: {  	_ =	shalt  }
0x86: {  	_ =	shalt  }
0x87: {  	_ =	shalt  }
.Lfunc_end0:
.L_simem_size_0:
called_computation_lowered:
.L_overlay_start_0:
0x88: {  	s2 =	sld [smem:$0x3FD9]  }
0x89: {  	s3 =	sld [smem:$0x3FFE];
	_ =	sdelay $0x1  }
0x8a: {  	s1 =	srdreg.scid  }
0x8b: {  	s0 =	sand.u32 $0x1, s1  }
0x8c: {  	s17 =	sshll.u32 s0, $0xA;
	s2 =	sadd.s32 s3, s2  }
0x8d: {  	s2 =	sadd.s32 s2, s17  }
0x8e: {  	[smem:$0x3FC5] =	sst s2  }
0x8f: {  	_ = 	snop  }
0x90: {  	s2 =	sld [smem:$0x3FC8];
	(tm) =	ssettm $0x1  }
0x91: {  	s18 =	sld [smem:$0x3FFB];
	_ =	sdelay $0x3  }
0x92: {  	_ =	strace s18  }
0x93: {  	s3 =	sld [smem:$0x3FFC];
	_ =	sdelay $0x3  }
0x94: {  	_ =	strace s3  }
0x95: {  	s3 =	sld [smem:$0x3FFD];
	_ =	sdelay $0x3  }
0x96: {  	_ =	strace s3  }
0x97: {  	_ =	strace $0x8FFFFFFF  }
0x98: {  	s19 =	sld [smem:$0x3FDB];
	_ =	sdelay $0x1  }
0x99: {  	s4 =	simm.s32 $_scs_section_size  }
0x9a: {  	s5 =	simm.s32 $_size__tile_overlayer_lowered;
	s6 =	simm.s32 $_tile_overlayer_lowered  }
0x9b: {  	s22 =	simm.s32 $0x1BFF;
	s21 =	sshll.u32 s6, $0x1;
	s3 =	sadd.s32 s4, s19  }
0x9c: {  	s7 =	simm.s32 $0x0;
	s20 =	sshll.u32 s5, $0x1;
	s5 =	sadd.s32 s21, s3  }
0x9d: {  	[timem:s7], [sflag:s22] =	dma.local [hbm:s5], s20  }
0x9e: {  	_ =	swait.ge [sflag:s22], s20  }
0x9f: {  	s4 =	ssub.s32 $0x0, s20;
	[sflag:s22] =	ssyncset.done $0x0  }
0xa0: {  	[sflag:s22] =	ssyncadd.s32 s4;
	_ =	sdelay $0x1  }
0xa1: {  	s23 =	simm.s32 $0x1B8B  }
0xa2: {  	_ =	swait.ge [sflag:s23], $0x1  }
0xa3: {  	[sflag:s23] =	ssyncset.done $0x0  }
0xa4: {  	s25 =	simm.s32 $0x1B8E;
	s24 =	sld [smem:$0x3FFE];
	[sflag:s23] =	ssyncadd.s32 $0xFFFFFFFF  }
0xa5: {  	s26 =	simm.s32 $execute0_lowered;
	[smem:$0x3FD2] =	sst s25  }
0xa6: {  	s5 =	sshll.u32 s26, $0x1;
	_ =	strace $0x80000046;
	[dreg:$0x1] =	wrdreg $0xFFFFFFFF  }
0xa7: {  	s28 =	simm.s32 $_size_execute0_lowered;
	s3 =	sadd.s32 s3, s5;
	[dreg:$0x0] =	wrdreg $0x0  }
0xa8: {  	s5 =	sshll.u32 s28, $0x1;
	[dreg:$0x2] =	wrdreg s3  }
0xa9: {  	[dreg:$0x3] =	wrdreg s5  }
0xaa: {  	[dreg:$0x4] =	wrdreg $0xC0  }
0xab: {  	_ =	task [dreg:s7], $0x5FFFF  }
0xac: {  	[dreg:$0x1] =	wrdreg $0xFFFFFFFF  }
0xad: {  	[dreg:$0x0] =	wrdreg $0x60  }
0xae: {  	[dreg:$0x2] =	wrdreg s24  }
0xaf: {  	[dreg:$0x3] =	wrdreg s2  }
0xb0: {  	[dreg:$0x4] =	wrdreg $0x9  }
0xb1: {  	_ =	task.clear_ibuf [dreg:s7], $0x5FFFF;
	_ =	strace $0x90000046  }
0xb2: {  	s29 =	simm.s32 $0x9;
	_ =	strace $0x80000048  }
0xb3: {  	_ =	swait.ge [sflag:s29], $0x1  }
0xb4: {  	[sflag:s29] =	ssyncadd.s32 $0xFFFFFFFF  }
0xb5: {  	_ =	strace $0x90000048  }
0xb6: {  	_ =	sfence  }
0xb7: {  	s30 =	sld [smem:$0x0];
	_ =	sdelay $0x2  }
0xb8: {  	s31 =	sshll.u32 s1, $0xD;
	s1 =	sshrl.u32 s1, $0x2  }
0xb9: {  	s3 =	sand.u32 $0x4000, s31;
	s1 =	sadd.s32 s1, s30  }
0xba: {  	s0 =	sor.u32 s3, s0;
	s1 =	sshll.u32 s1, $0x11  }
0xbb: {  	s0 =	sor.u32 s1, s0  }
0xbc: {  	s0 =	sadd.s32 $0x8F2B, s0  }
0xbd: {  	[sflag:s0] =	ssyncadd.remote.s32 $0x1  }
0xbe: {  	_ =	sfence.sel $0xFFFF  }
0xbf: {  	[dreg:$0x0] =	wrdreg $0xFFFFFFFF;
	(pc) =	sbr.abs _section_cstart, $3  }
0xc0: {  	[dreg:$0x1] =	wrdreg $0xFFFFFFFF  }
0xc1: {  	_ =	task.clear_ibuf [dreg:s7], $0x2FFFF;
	_ =	strace $0x9FFFFFFF  }
0xc2: {  	(tm) =	ssettm $0x7FFFFFFF  }
0xc3: {  	_ =	shalt  }
tec
execute0_lowered:
.L_overlay_start_1:
0x0: {  	(tag) =	ssettag $0x1  }
0x1: {  	s1 =	srdreg.scid;
	s9 =	rddreg [dreg:$0x0]  }
0x2: {  	s0 =	stileid.u32;
	s3 =	rddreg [dreg:$0x1]  }
0x3: {  	s2 =	simm.s32 $0x0;
	s7 =	simm.s32 $0x80;
	s6 =	sand.u32 $0x1, s1  }
0x4: {  	s4 =	sshll.u32 s0, $0x6;
	s1 =	rddreg [dreg:$0x2];
	s5 =	sshll.u32 s6, $0x5  }
0x5: {  	s8 =	simm.s32 $0x1;
	[smem:$0x7FF] =	sst s2;
	s10 =	sor.u32 s5, s4  }
0x6: {  	_ =	strace $0x80000047;
	s11 =	ssub.s32 $0x2, s6;
	s4 =	sshrl.u32 s10, $0x3  }
0x7: {  	s6 =	simm.s32 $0x20;
	s4 =	sadd.s32 s3, s4;
	s3 =	simm.s32 $0x2  }
0x8: {  	[tilespmem:s2], [sflag:$0x2] =	stream.linear.gather [hbm4b:s4+s2], $0x20, $0x38;
	[tilespmem:$0x1080] =	vst v63  }
0x9: {  	s5 =	sadd.s32 $0x600, s9;
	s12 =	sshrl.u32 s11, $0x1;
	_ =	swait.ge [sflag:s3], $0x20  }
0xa: {  	s10 =	sshll.u32 s10, $0x4;
	s31 =	ssub.s32 s11, s12;
	[sflag:s3] =	ssyncset.done $0x0  }
0xb: {  	s9 =	sadd.s32 s10, s9;
	s10 =	smax.u32 s31, $0x1;
	[sflag:s3] =	ssyncadd.s32 $0xFFFFFFE0  }
0xc: {  	[tilespmem:s7], [sflag:$0x1] =	stream.indirect.gather [hbm4b:s5+s6], $0x80, s2, s6, $0xb8;
	[tilespmem:$0x1080] =	vst v63  }
0xd: {  	p0 =	sne.s32 s10, $0x1;
	_ =	swait.ge [sflag:s8], $0x1000  }
.Ltmp0:
0xe: {  	[sflag:s8] =	ssyncset.done $0x0;
	(pc) =	sbr.rel @!p0 .LBB2_2-.Ltmp0, $4  }
0xf: {  	s9 =	sadd.s32 $0x4600, s9;
	[sflag:s8] =	ssyncadd.s32 $0xFFFFF000  }
0x10: {  	[hbm4b:s9+s2] =	stream.linear.scatter [tilespmem:s7], [sflag:$0x2], $0x1000, $0x38;
	[tilespmem:$0x1080] =	vst v63  }
0x11: {  	_ =	swait.ge [sflag:s3], $0x1000  }
0x12: {  	s10 =	sadd.s32 $0xFFFFFFFF, s10;
	[sflag:s3] =	ssyncset.done $0x0  }
.LBB2_1:
0x13: {  	p0 =	sne.s32 s10, $0x1;
	s10 =	sadd.s32 $0xFFFFFFFF, s10;
	[sflag:s3] =	ssyncadd.s32 $0xFFFFF000  }
0x14: {  	[tilespmem:s2], [sflag:$0x2] =	stream.linear.gather [hbm4b:s4+s2], $0x20, $0x38;
	[tilespmem:$0x1080] =	vst v63  }
0x15: {  	_ =	swait.ge [sflag:s3], $0x20  }
0x16: {  	[sflag:s3] =	ssyncset.done $0x0  }
0x17: {  	[sflag:s3] =	ssyncadd.s32 $0xFFFFFFE0  }
0x18: {  	[tilespmem:s7], [sflag:$0x1] =	stream.indirect.gather [hbm4b:s5+s6], $0x80, s2, s6, $0xb8;
	[tilespmem:$0x1080] =	vst v63  }
0x19: {  	_ =	swait.ge [sflag:s8], $0x1000  }
.Ltmp1:
0x1a: {  	[sflag:s8] =	ssyncset.done $0x0;
	(pc) =	sbr.rel @p0 .LBB2_1-.Ltmp1, $4  }
0x1b: {  	[sflag:s8] =	ssyncadd.s32 $0xFFFFF000  }
0x1c: {  	[hbm4b:s9+s2] =	stream.linear.scatter [tilespmem:s7], [sflag:$0x2], $0x1000, $0x38;
	[tilespmem:$0x1080] =	vst v63  }
0x1d: {  	_ =	swait.ge [sflag:s3], $0x1000  }
0x1e: {  	[sflag:s3] =	ssyncset.done $0x0  }
.LBB2_2:
0x1f: {  	[sflag:s3] =	ssyncadd.s32 $0xFFFFF000  }
0x20: {  	_ =	sfence.sel $0x180000  }
0x21: {  	[bflag:$0x0] =	sbarrier.arrive $0xFFFF  }
0x22: {  	p0 =	sne.s32 s0, $0x0;
	_ =	strace $0x90000047  }
0x23: {  	s0 =	sadd.s32 @!p0 $0x100000, s1;
	[bflag:$0x2] =	sbarrier.arrive $0xFFFF  }
0x24: {  	[sflag:s0] =	ssyncadd.tile.s32 @!p0 $0x1;
	_ =	shalt  }
.Lfunc_end2:
_tile_overlayer_lowered:
.L_overlay_start_2:
0x25: {  	(tag) =	ssettag $0x2  }
0x26: {  	s0 =	rddreg [dreg:$0x0];
	s2 =	stileid.u32  }
0x27: {  	s1 =	rddreg [dreg:$0x1];
	p0 =	sne.s32 s2, $0x0  }
0x28: {  	s3 =	rddreg [dreg:$0x2];
	[bflag:$0x3] =	sbarrier.arrive $0xFFFF;
	s2 =	simm.s32 @!p0 $0x1C02  }
0x29: {  	[timem:s3], [sflag:s2] =	dma.local @!p0 [hbm:s0], s1  }
0x2a: {  	s0 =	simm.s32 @!p0 $0x2  }
0x2b: {  	_ =	swait.ge @!p0 [sflag:s0], s1  }
0x2c: {  	s1 =	ssub.s32 @!p0 $0x0, s1;
	[sflag:s0] =	ssyncset.done @!p0 $0x0  }
0x2d: {  	[sflag:s0] =	ssyncadd.s32 @!p0 s1  }
0x2e: {  	[bflag:$0x3] =	sbarrier.arrive $0xFFFF  }
0x2f: {  	_ =	shalt  }

</sc_bundles>
